<compile_context>
chip_gen: v7x
topology: tpu7x:2x2x1
jax: 0.10.2.dev20260603
libtpu: 0.0.44.dev20260713+nightly
codegen_flags: <defaults>
</compile_context>

<pallas_src>
import jax
import jax.numpy as jnp
from jax.experimental import pallas as pl

_NPOINT = 512
_RADIUS_LIST = [0.1, 0.2, 0.4]
_NSAMPLE_LIST = [16, 32, 128]
_MLP_LIST = [[32, 32, 64], [64, 64, 128], [64, 96, 128]]
_TM = 4096


def _matmul_stats_kernel(x_ref, w_ref, b_ref, y_ref, stats_ref):
    i = pl.program_id(0)
    y = jnp.dot(w_ref[...], x_ref[...], preferred_element_type=jnp.float32)
    y = y + b_ref[...]
    y_ref[...] = y

    @pl.when(i == 0)
    def _():
        stats_ref[...] = jnp.zeros_like(stats_ref)

    s = jnp.sum(y, axis=1)
    ss = jnp.sum(y * y, axis=1)
    stats_ref[...] += jnp.stack([s, ss], axis=0)


def _scale_relu_kernel(y_ref, a_ref, c_ref, o_ref):
    o_ref[...] = jnp.maximum(y_ref[...] * a_ref[...] + c_ref[...], 0.0)


def _conv_bn_relu(x2, W, b, g, be):
    O, C = W.shape
    M = x2.shape[1]
    grid = (M // _TM,)
    y, stats = pl.pallas_call(
        _matmul_stats_kernel,
        grid=grid,
        in_specs=[
            pl.BlockSpec((C, _TM), lambda i: (0, i)),
            pl.BlockSpec((O, C), lambda i: (0, 0)),
            pl.BlockSpec((O, 1), lambda i: (0, 0)),
        ],
        out_specs=[
            pl.BlockSpec((O, _TM), lambda i: (0, i)),
            pl.BlockSpec((2, O), lambda i: (0, 0)),
        ],
        out_shape=[
            jax.ShapeDtypeStruct((O, M), jnp.float32),
            jax.ShapeDtypeStruct((2, O), jnp.float32),
        ],
    )(x2, W, b.reshape(O, 1))
    mean = stats[0] / M
    var = stats[1] / M - mean * mean
    a = g * jax.lax.rsqrt(var + 1e-5)
    c = be - a * mean
    out = pl.pallas_call(
        _scale_relu_kernel,
        grid=grid,
        in_specs=[
            pl.BlockSpec((O, _TM), lambda i: (0, i)),
            pl.BlockSpec((O, 1), lambda i: (0, 0)),
            pl.BlockSpec((O, 1), lambda i: (0, 0)),
        ],
        out_specs=pl.BlockSpec((O, _TM), lambda i: (0, i)),
        out_shape=jax.ShapeDtypeStruct((O, M), jnp.float32),
    )(y, a.reshape(O, 1), c.reshape(O, 1))
    return out


def _square_distance(src, dst):
    B, N, _ = src.shape
    M = dst.shape[1]
    dist = -2.0 * jnp.matmul(src, jnp.transpose(dst, (0, 2, 1)))
    dist = dist + jnp.sum(src ** 2, -1).reshape(B, N, 1)
    dist = dist + jnp.sum(dst ** 2, -1).reshape(B, 1, M)
    return dist


def _index_points(points, idx):
    return jax.vmap(lambda p, i: p[i])(points, idx)


def _farthest_point_sample(xyz, npoint):
    B, N, _ = xyz.shape
    centroids0 = jnp.zeros((B, npoint), dtype=jnp.int32)
    distance0 = jnp.full((B, N), 1e10, dtype=xyz.dtype)
    farthest0 = jnp.zeros((B,), dtype=jnp.int32)

    def body(i, state):
        centroids, distance, farthest = state
        centroids = centroids.at[:, i].set(farthest)
        centroid = xyz[jnp.arange(B), farthest, :].reshape(B, 1, 3)
        dist = jnp.sum((xyz - centroid) ** 2, -1)
        distance = jnp.minimum(distance, dist)
        farthest = jnp.argmax(distance, axis=-1).astype(jnp.int32)
        return (centroids, distance, farthest)

    centroids, _, _ = jax.lax.fori_loop(0, npoint, body,
                                        (centroids0, distance0, farthest0))
    return centroids


def _query_ball_point(radius, nsample, xyz, new_xyz):
    B, N, _ = xyz.shape
    S = new_xyz.shape[1]
    sqrdists = _square_distance(new_xyz, xyz)
    group_idx = jnp.broadcast_to(jnp.arange(N, dtype=jnp.int32), (B, S, N))
    group_idx = jnp.where(sqrdists > radius ** 2, N, group_idx)
    group_idx = jnp.sort(group_idx, axis=-1)[:, :, :nsample]
    group_first = jnp.broadcast_to(group_idx[:, :, 0:1], (B, S, nsample))
    group_idx = jnp.where(group_idx == N, group_first, group_idx)
    return group_idx


def kernel(xyz, points, params):
    xyz_t = jnp.transpose(xyz, (0, 2, 1))
    pts = jnp.transpose(points, (0, 2, 1))
    B, N, C = xyz_t.shape
    S = _NPOINT
    fps_idx = _farthest_point_sample(xyz_t, S)
    new_xyz = _index_points(xyz_t, fps_idx)
    new_points_list = []
    for i, radius in enumerate(_RADIUS_LIST):
        K = _NSAMPLE_LIST[i]
        group_idx = _query_ball_point(radius, K, xyz_t, new_xyz)
        grouped_xyz = _index_points(xyz_t, group_idx)
        grouped_xyz = grouped_xyz - new_xyz.reshape(B, S, 1, C)
        grouped_points = _index_points(pts, group_idx)
        grouped_points = jnp.concatenate([grouped_points, grouped_xyz], axis=-1)
        x = jnp.transpose(grouped_points, (3, 0, 2, 1))
        Cin = x.shape[0]
        x2 = x.reshape(Cin, B * K * S)
        for j in range(len(_MLP_LIST[i])):
            x2 = _conv_bn_relu(x2, params[f"W_{i}_{j}"], params[f"b_{i}_{j}"],
                               params[f"g_{i}_{j}"], params[f"be_{i}_{j}"])
        Cout = x2.shape[0]
        y = x2.reshape(Cout, B, K, S)
        new_points = jnp.max(y, axis=2)
        new_points_list.append(jnp.transpose(new_points, (1, 0, 2)))
    new_xyz_out = jnp.transpose(new_xyz, (0, 2, 1))
    new_points_concat = jnp.concatenate(new_points_list, axis=1)
    return (new_xyz_out, new_points_concat)

# --- scband reference (transcript-rebuilt; emitter-appended) ---
"""Pipeline reference for scband-point-net-set-abstraction-msg-7516192768034 (READ-ONLY COPY).

The authoritative reference and input builder live on the scoring server;
editing this copy changes nothing except your own understanding.
"""

import jax, jax.numpy as jnp
import numpy as np

NPOINT = 512
RADIUS_LIST = [0.1, 0.2, 0.4]
NSAMPLE_LIST = [16, 32, 128]
IN_CHANNEL = 32
MLP_LIST = [[32, 32, 64], [64, 64, 128], [64, 96, 128]]


def square_distance(src, dst):
    B, N, _ = src.shape
    M = dst.shape[1]
    dist = -2.0 * jnp.matmul(src, jnp.transpose(dst, (0, 2, 1)))
    dist = dist + jnp.sum(src ** 2, -1).reshape(B, N, 1)
    dist = dist + jnp.sum(dst ** 2, -1).reshape(B, 1, M)
    return dist


def index_points(points, idx):
    # points: [B, N, C]; idx: [B, ...] -> [B, ..., C]
    return jax.vmap(lambda p, i: p[i])(points, idx)


def farthest_point_sample(xyz, npoint):
    B, N, _ = xyz.shape
    centroids0 = jnp.zeros((B, npoint), dtype=jnp.int32)
    distance0 = jnp.full((B, N), 1e10, dtype=xyz.dtype)
    farthest0 = jnp.zeros((B,), dtype=jnp.int32)

    def body(i, state):
        centroids, distance, farthest = state
        centroids = centroids.at[:, i].set(farthest)
        centroid = xyz[jnp.arange(B), farthest, :].reshape(B, 1, 3)
        dist = jnp.sum((xyz - centroid) ** 2, -1)
        distance = jnp.minimum(distance, dist)
        farthest = jnp.argmax(distance, axis=-1).astype(jnp.int32)
        return (centroids, distance, farthest)

    centroids, _, _ = jax.lax.fori_loop(0, npoint, body, (centroids0, distance0, farthest0))
    return centroids


def query_ball_point(radius, nsample, xyz, new_xyz):
    B, N, _ = xyz.shape
    S = new_xyz.shape[1]
    sqrdists = square_distance(new_xyz, xyz)  # [B, S, N]
    group_idx = jnp.broadcast_to(jnp.arange(N, dtype=jnp.int32), (B, S, N))
    group_idx = jnp.where(sqrdists > radius ** 2, N, group_idx)
    group_idx = jnp.sort(group_idx, axis=-1)[:, :, :nsample]
    group_first = jnp.broadcast_to(group_idx[:, :, 0:1], (B, S, nsample))
    group_idx = jnp.where(group_idx == N, group_first, group_idx)
    return group_idx


def conv_bn_relu(x, W, b, gamma, beta):
    # x: [B, C_in, K, S]; 1x1 conv == channel matmul; BN in training mode (batch stats)
    y = jnp.einsum('oc,bcks->boks', W, x) + b[None, :, None, None]
    mean = jnp.mean(y, axis=(0, 2, 3))
    var = jnp.var(y, axis=(0, 2, 3))
    yn = (y - mean[None, :, None, None]) / jnp.sqrt(var[None, :, None, None] + 1e-5)
    y = gamma[None, :, None, None] * yn + beta[None, :, None, None]
    return jax.nn.relu(y)


def setup_inputs(seed: int = 0) -> dict:
    key = jax.random.key(seed)
    k1, k2, kp = jax.random.split(key, 3)
    xyz = jax.random.uniform(k1, (4, 3, 8192), dtype=jnp.float32)
    points = jax.random.normal(k2, (4, IN_CHANNEL, 8192), dtype=jnp.float32)
    params = {}
    for i, mlp in enumerate(MLP_LIST):
        last = IN_CHANNEL + 3
        for j, out in enumerate(mlp):
            kp, kw = jax.random.split(kp)
            params[f"W_{i}_{j}"] = jax.random.normal(kw, (out, last), dtype=jnp.float32) * 0.1
            params[f"b_{i}_{j}"] = jnp.zeros((out,), jnp.float32)
            params[f"g_{i}_{j}"] = jnp.ones((out,), jnp.float32)
            params[f"be_{i}_{j}"] = jnp.zeros((out,), jnp.float32)
            last = out
    return {"xyz": xyz, "points": points, "params": params}


def reference(xyz, points, params):
    xyz_t = jnp.transpose(xyz, (0, 2, 1))      # [B, N, 3]
    pts = jnp.transpose(points, (0, 2, 1))     # [B, N, D]
    B, N, C = xyz_t.shape
    S = NPOINT
    fps_idx = farthest_point_sample(xyz_t, S)
    new_xyz = index_points(xyz_t, fps_idx)     # [B, S, 3]
    new_points_list = []
    for i, radius in enumerate(RADIUS_LIST):
        K = NSAMPLE_LIST[i]
        group_idx = query_ball_point(radius, K, xyz_t, new_xyz)  # [B, S, K]
        grouped_xyz = index_points(xyz_t, group_idx)             # [B, S, K, 3]
        grouped_xyz = grouped_xyz - new_xyz.reshape(B, S, 1, C)
        grouped_points = index_points(pts, group_idx)            # [B, S, K, D]
        grouped_points = jnp.concatenate([grouped_points, grouped_xyz], axis=-1)
        grouped_points = jnp.transpose(grouped_points, (0, 3, 2, 1))  # [B, D+3, K, S]
        for j in range(len(MLP_LIST[i])):
            grouped_points = conv_bn_relu(grouped_points, params[f"W_{i}_{j}"], params[f"b_{i}_{j}"], params[f"g_{i}_{j}"], params[f"be_{i}_{j}"])
        new_points = jnp.max(grouped_points, axis=2)             # [B, C_out, S]
        new_points_list.append(new_points)
    new_xyz_out = jnp.transpose(new_xyz, (0, 2, 1))
    new_points_concat = jnp.concatenate(new_points_list, axis=1)
    return (new_xyz_out, new_points_concat)

if __name__ == "__main__":
    import jax
    _d = setup_inputs()
    print(jax.jit(kernel)(*tuple(_d.values())))

</pallas_src>

<mosaic_0001>
module attributes {stable_mosaic.version = 14 : i64} {
  func.func @_matmul_stats_kernel(%arg0: i32, %arg1: memref<35x4096xf32, #tpu.memory_space<vmem>>, %arg2: memref<64x35xf32, #tpu.memory_space<vmem>>, %arg3: memref<64x1xf32, #tpu.memory_space<vmem>>, %arg4: memref<64x4096xf32, #tpu.memory_space<vmem>>, %arg5: memref<2x64xf32, #tpu.memory_space<vmem>>) attributes {dimension_semantics = [#tpu.dimension_semantics<arbitrary>], iteration_bounds = array<i64: 16>, scalar_prefetch = 0 : i64, scratch_operands = 0 : i64, tpu.core_type = #tpu.core_type<tc>, window_params = [{transform_indices = @transform_0, window_bounds = array<i64: 35, 4096>}, {pipeline_mode = #tpu.pipeline_mode<synchronous>, transform_indices = @transform_1, window_bounds = array<i64: 64, 35>}, {pipeline_mode = #tpu.pipeline_mode<synchronous>, transform_indices = @transform_2, window_bounds = array<i64: 64, 1>}, {transform_indices = @transform_3, window_bounds = array<i64: 64, 4096>}, {pipeline_mode = #tpu.pipeline_mode<synchronous>, transform_indices = @transform_4, window_bounds = array<i64: 2, 64>}]} {
    %get3A = arith.constant 0 : index
    %get3A_0 = arith.constant 0 : index
    %get3A_1 = vector.load %arg2[%get3A, %get3A_0] : memref<64x35xf32, #tpu.memory_space<vmem>>, vector<64x35xf32>
    %get3A_2 = arith.constant 0 : index
    %get3A_3 = arith.constant 0 : index
    %get3A_4 = vector.load %arg1[%get3A_2, %get3A_3] : memref<35x4096xf32, #tpu.memory_space<vmem>>, vector<35x4096xf32>
    %dot_general3A = arith.constant dense<0.000000e+00> : vector<64x4096xf32>
    %dot_general3A_5 = tpu.matmul %get3A_1, %get3A_4, %dot_general3A {dimension_numbers = #tpu.dot_dimension_numbers<[1], [0], [0], [1], [0, 0, 1, 1], [], []>, transpose_lhs_hint = false} : vector<64x35xf32>, vector<35x4096xf32>, vector<64x4096xf32> -> vector<64x4096xf32>
    %get3A_6 = arith.constant 0 : index
    %get3A_7 = arith.constant 0 : index
    %get3A_8 = vector.load %arg3[%get3A_6, %get3A_7] : memref<64x1xf32, #tpu.memory_space<vmem>>, vector<64x1xf32>
    %add3A = vector.broadcast %get3A_8 : vector<64x1xf32> to vector<64x4096xf32>
    %add3A_9 = arith.addf %dot_general3A_5, %add3A : vector<64x4096xf32>
    %swap3A = arith.constant 0 : index
    %swap3A_10 = arith.constant 0 : index
    %swap3A_11 = vector.load %arg4[%swap3A, %swap3A_10] : memref<64x4096xf32, #tpu.memory_space<vmem>>, vector<64x4096xf32>
    tpu.vector_store %arg4[%swap3A, %swap3A_10], %add3A_9 {strides = array<i32>} : memref<64x4096xf32, #tpu.memory_space<vmem>>, vector<64x4096xf32>,
    %eq3A = arith.constant 0 : i32
    %eq3A_12 = arith.cmpi eq, %arg0, %eq3A : i32
    %convert_element_type3A = arith.extui %eq3A_12 : i1 to i32
    %cond3A = arith.constant 0 : i32
    %cond3A_13 = arith.cmpi ne, %convert_element_type3A, %cond3A : i32
    scf.if %cond3A_13 {
      %broadcast_in_dim3A = arith.constant 0.000000e+00 : f32
      %broadcast_in_dim3A_26 = vector.broadcast %broadcast_in_dim3A : f32 to vector<2x64xf32>
      %swap3A_27 = arith.constant 0 : index
      %swap3A_28 = arith.constant 0 : index
      %swap3A_29 = vector.load %arg5[%swap3A_27, %swap3A_28] : memref<2x64xf32, #tpu.memory_space<vmem>>, vector<2x64xf32>
      tpu.vector_store %arg5[%swap3A_27, %swap3A_28], %broadcast_in_dim3A_26 {strides = array<i32>} : memref<2x64xf32, #tpu.memory_space<vmem>>, vector<2x64xf32>,
    } else {
    }
    %reduce_sum3A = arith.constant dense<0.000000e+00> : vector<64xf32>
    %reduce_sum3A_14 = vector.multi_reduction <add>, %add3A_9, %reduce_sum3A [1] : vector<64x4096xf32> to vector<64xf32>
    %mul3A = arith.mulf %add3A_9, %add3A_9 : vector<64x4096xf32>
    %reduce_sum3A_15 = arith.constant dense<0.000000e+00> : vector<64xf32>
    %reduce_sum3A_16 = vector.multi_reduction <add>, %mul3A, %reduce_sum3A_15 [1] : vector<64x4096xf32> to vector<64xf32>
    %get3A_17 = arith.constant 0 : index
    %get3A_18 = arith.constant 0 : index
    %get3A_19 = vector.load %arg5[%get3A_17, %get3A_18] : memref<2x64xf32, #tpu.memory_space<vmem>>, vector<2x64xf32>
    %stack3A = vector.shape_cast %reduce_sum3A_14 : vector<64xf32> to vector<1x64xf32>
    %stack3A_20 = vector.shape_cast %reduce_sum3A_16 : vector<64xf32> to vector<1x64xf32>
    %stack3A_21 = tpu.concatenate %stack3A, %stack3A_20 in 0 : vector<1x64xf32>, vector<1x64xf32> -> vector<2x64xf32>
    %add3A_22 = arith.addf %get3A_19, %stack3A_21 : vector<2x64xf32>
    %swap3A_23 = arith.constant 0 : index
    %swap3A_24 = arith.constant 0 : index
    %swap3A_25 = vector.load %arg5[%swap3A_23, %swap3A_24] : memref<2x64xf32, #tpu.memory_space<vmem>>, vector<2x64xf32>
    tpu.vector_store %arg5[%swap3A_23, %swap3A_24], %add3A_22 {strides = array<i32>} : memref<2x64xf32, #tpu.memory_space<vmem>>, vector<2x64xf32>,
    return
  }
  func.func @transform_0(%arg0: i32) -> (i32, i32) {
    %c0_i32 = arith.constant 0 : i32
    %c0_i32_0 = arith.constant 0 : i32
    return %c0_i32, %arg0 : i32, i32
  }
  func.func @transform_1(%arg0: i32) -> (i32, i32) {
    %c0_i32 = arith.constant 0 : i32
    %c0_i32_0 = arith.constant 0 : i32
    %c0_i32_1 = arith.constant 0 : i32
    return %c0_i32, %c0_i32_0 : i32, i32
  }
  func.func @transform_2(%arg0: i32) -> (i32, i32) {
    %c0_i32 = arith.constant 0 : i32
    %c0_i32_0 = arith.constant 0 : i32
    %c0_i32_1 = arith.constant 0 : i32
    return %c0_i32, %c0_i32_0 : i32, i32
  }
  func.func @transform_3(%arg0: i32) -> (i32, i32) {
    %c0_i32 = arith.constant 0 : i32
    %c0_i32_0 = arith.constant 0 : i32
    return %c0_i32, %arg0 : i32, i32
  }
  func.func @transform_4(%arg0: i32) -> (i32, i32) {
    %c0_i32 = arith.constant 0 : i32
    %c0_i32_0 = arith.constant 0 : i32
    %c0_i32_1 = arith.constant 0 : i32
    return %c0_i32, %c0_i32_0 : i32, i32
  }
}

module attributes {stable_mosaic.version = 14 : i64} {
  func.func @_scale_relu_kernel(%arg0: i32, %arg1: memref<64x4096xf32, #tpu.memory_space<vmem>>, %arg2: memref<64x1xf32, #tpu.memory_space<vmem>>, %arg3: memref<64x1xf32, #tpu.memory_space<vmem>>, %arg4: memref<64x4096xf32, #tpu.memory_space<vmem>>) attributes {dimension_semantics = [#tpu.dimension_semantics<arbitrary>], iteration_bounds = array<i64: 16>, scalar_prefetch = 0 : i64, scratch_operands = 0 : i64, tpu.core_type = #tpu.core_type<tc>, window_params = [{transform_indices = @transform_0, window_bounds = array<i64: 64, 4096>}, {pipeline_mode = #tpu.pipeline_mode<synchronous>, transform_indices = @transform_1, window_bounds = array<i64: 64, 1>}, {pipeline_mode = #tpu.pipeline_mode<synchronous>, transform_indices = @transform_2, window_bounds = array<i64: 64, 1>}, {transform_indices = @transform_3, window_bounds = array<i64: 64, 4096>}]} {
    %get3A = arith.constant 0 : index
    %get3A_0 = arith.constant 0 : index
    %get3A_1 = vector.load %arg1[%get3A, %get3A_0] : memref<64x4096xf32, #tpu.memory_space<vmem>>, vector<64x4096xf32>
    %get3A_2 = arith.constant 0 : index
    %get3A_3 = arith.constant 0 : index
    %get3A_4 = vector.load %arg2[%get3A_2, %get3A_3] : memref<64x1xf32, #tpu.memory_space<vmem>>, vector<64x1xf32>
    %mul3A = vector.broadcast %get3A_4 : vector<64x1xf32> to vector<64x4096xf32>
    %mul3A_5 = arith.mulf %get3A_1, %mul3A : vector<64x4096xf32>
    %get3A_6 = arith.constant 0 : index
    %get3A_7 = arith.constant 0 : index
    %get3A_8 = vector.load %arg3[%get3A_6, %get3A_7] : memref<64x1xf32, #tpu.memory_space<vmem>>, vector<64x1xf32>
    %add3A = vector.broadcast %get3A_8 : vector<64x1xf32> to vector<64x4096xf32>
    %add3A_9 = arith.addf %mul3A_5, %add3A : vector<64x4096xf32>
    %max3A = arith.constant 0.000000e+00 : f32
    %max3A_10 = vector.broadcast %max3A : f32 to vector<64x4096xf32>
    %max3A_11 = arith.maximumf %add3A_9, %max3A_10 : vector<64x4096xf32>
    %swap3A = arith.constant 0 : index
    %swap3A_12 = arith.constant 0 : index
    %swap3A_13 = vector.load %arg4[%swap3A, %swap3A_12] : memref<64x4096xf32, #tpu.memory_space<vmem>>, vector<64x4096xf32>
    tpu.vector_store %arg4[%swap3A, %swap3A_12], %max3A_11 {strides = array<i32>} : memref<64x4096xf32, #tpu.memory_space<vmem>>, vector<64x4096xf32>,
    return
  }
  func.func @transform_0(%arg0: i32) -> (i32, i32) {
    %c0_i32 = arith.constant 0 : i32
    %c0_i32_0 = arith.constant 0 : i32
    return %c0_i32, %arg0 : i32, i32
  }
  func.func @transform_1(%arg0: i32) -> (i32, i32) {
    %c0_i32 = arith.constant 0 : i32
    %c0_i32_0 = arith.constant 0 : i32
    %c0_i32_1 = arith.constant 0 : i32
    return %c0_i32, %c0_i32_0 : i32, i32
  }
  func.func @transform_2(%arg0: i32) -> (i32, i32) {
    %c0_i32 = arith.constant 0 : i32
    %c0_i32_0 = arith.constant 0 : i32
    %c0_i32_1 = arith.constant 0 : i32
    return %c0_i32, %c0_i32_0 : i32, i32
  }
  func.func @transform_3(%arg0: i32) -> (i32, i32) {
    %c0_i32 = arith.constant 0 : i32
    %c0_i32_0 = arith.constant 0 : i32
    return %c0_i32, %arg0 : i32, i32
  }
}

module attributes {stable_mosaic.version = 14 : i64} {
  func.func @_matmul_stats_kernel(%arg0: i32, %arg1: memref<64x4096xf32, #tpu.memory_space<vmem>>, %arg2: memref<64x64xf32, #tpu.memory_space<vmem>>, %arg3: memref<64x1xf32, #tpu.memory_space<vmem>>, %arg4: memref<64x4096xf32, #tpu.memory_space<vmem>>, %arg5: memref<2x64xf32, #tpu.memory_space<vmem>>) attributes {dimension_semantics = [#tpu.dimension_semantics<arbitrary>], iteration_bounds = array<i64: 16>, scalar_prefetch = 0 : i64, scratch_operands = 0 : i64, tpu.core_type = #tpu.core_type<tc>, window_params = [{transform_indices = @transform_0, window_bounds = array<i64: 64, 4096>}, {pipeline_mode = #tpu.pipeline_mode<synchronous>, transform_indices = @transform_1, window_bounds = array<i64: 64, 64>}, {pipeline_mode = #tpu.pipeline_mode<synchronous>, transform_indices = @transform_2, window_bounds = array<i64: 64, 1>}, {transform_indices = @transform_3, window_bounds = array<i64: 64, 4096>}, {pipeline_mode = #tpu.pipeline_mode<synchronous>, transform_indices = @transform_4, window_bounds = array<i64: 2, 64>}]} {
    %get3A = arith.constant 0 : index
    %get3A_0 = arith.constant 0 : index
    %get3A_1 = vector.load %arg2[%get3A, %get3A_0] : memref<64x64xf32, #tpu.memory_space<vmem>>, vector<64x64xf32>
    %get3A_2 = arith.constant 0 : index
    %get3A_3 = arith.constant 0 : index
    %get3A_4 = vector.load %arg1[%get3A_2, %get3A_3] : memref<64x4096xf32, #tpu.memory_space<vmem>>, vector<64x4096xf32>
    %dot_general3A = arith.constant dense<0.000000e+00> : vector<64x4096xf32>
    %dot_general3A_5 = tpu.matmul %get3A_1, %get3A_4, %dot_general3A {dimension_numbers = #tpu.dot_dimension_numbers<[1], [0], [0], [1], [0, 0, 1, 1], [], []>, transpose_lhs_hint = false} : vector<64x64xf32>, vector<64x4096xf32>, vector<64x4096xf32> -> vector<64x4096xf32>
    %get3A_6 = arith.constant 0 : index
    %get3A_7 = arith.constant 0 : index
    %get3A_8 = vector.load %arg3[%get3A_6, %get3A_7] : memref<64x1xf32, #tpu.memory_space<vmem>>, vector<64x1xf32>
    %add3A = vector.broadcast %get3A_8 : vector<64x1xf32> to vector<64x4096xf32>
    %add3A_9 = arith.addf %dot_general3A_5, %add3A : vector<64x4096xf32>
    %swap3A = arith.constant 0 : index
    %swap3A_10 = arith.constant 0 : index
    %swap3A_11 = vector.load %arg4[%swap3A, %swap3A_10] : memref<64x4096xf32, #tpu.memory_space<vmem>>, vector<64x4096xf32>
    tpu.vector_store %arg4[%swap3A, %swap3A_10], %add3A_9 {strides = array<i32>} : memref<64x4096xf32, #tpu.memory_space<vmem>>, vector<64x4096xf32>,
    %eq3A = arith.constant 0 : i32
    %eq3A_12 = arith.cmpi eq, %arg0, %eq3A : i32
    %convert_element_type3A = arith.extui %eq3A_12 : i1 to i32
    %cond3A = arith.constant 0 : i32
    %cond3A_13 = arith.cmpi ne, %convert_element_type3A, %cond3A : i32
    scf.if %cond3A_13 {
      %broadcast_in_dim3A = arith.constant 0.000000e+00 : f32
      %broadcast_in_dim3A_26 = vector.broadcast %broadcast_in_dim3A : f32 to vector<2x64xf32>
      %swap3A_27 = arith.constant 0 : index
      %swap3A_28 = arith.constant 0 : index
      %swap3A_29 = vector.load %arg5[%swap3A_27, %swap3A_28] : memref<2x64xf32, #tpu.memory_space<vmem>>, vector<2x64xf32>
      tpu.vector_store %arg5[%swap3A_27, %swap3A_28], %broadcast_in_dim3A_26 {strides = array<i32>} : memref<2x64xf32, #tpu.memory_space<vmem>>, vector<2x64xf32>,
    } else {
    }
    %reduce_sum3A = arith.constant dense<0.000000e+00> : vector<64xf32>
    %reduce_sum3A_14 = vector.multi_reduction <add>, %add3A_9, %reduce_sum3A [1] : vector<64x4096xf32> to vector<64xf32>
    %mul3A = arith.mulf %add3A_9, %add3A_9 : vector<64x4096xf32>
    %reduce_sum3A_15 = arith.constant dense<0.000000e+00> : vector<64xf32>
    %reduce_sum3A_16 = vector.multi_reduction <add>, %mul3A, %reduce_sum3A_15 [1] : vector<64x4096xf32> to vector<64xf32>
    %get3A_17 = arith.constant 0 : index
    %get3A_18 = arith.constant 0 : index
    %get3A_19 = vector.load %arg5[%get3A_17, %get3A_18] : memref<2x64xf32, #tpu.memory_space<vmem>>, vector<2x64xf32>
    %stack3A = vector.shape_cast %reduce_sum3A_14 : vector<64xf32> to vector<1x64xf32>
    %stack3A_20 = vector.shape_cast %reduce_sum3A_16 : vector<64xf32> to vector<1x64xf32>
    %stack3A_21 = tpu.concatenate %stack3A, %stack3A_20 in 0 : vector<1x64xf32>, vector<1x64xf32> -> vector<2x64xf32>
    %add3A_22 = arith.addf %get3A_19, %stack3A_21 : vector<2x64xf32>
    %swap3A_23 = arith.constant 0 : index
    %swap3A_24 = arith.constant 0 : index
    %swap3A_25 = vector.load %arg5[%swap3A_23, %swap3A_24] : memref<2x64xf32, #tpu.memory_space<vmem>>, vector<2x64xf32>
    tpu.vector_store %arg5[%swap3A_23, %swap3A_24], %add3A_22 {strides = array<i32>} : memref<2x64xf32, #tpu.memory_space<vmem>>, vector<2x64xf32>,
    return
  }
  func.func @transform_0(%arg0: i32) -> (i32, i32) {
    %c0_i32 = arith.constant 0 : i32
    %c0_i32_0 = arith.constant 0 : i32
    return %c0_i32, %arg0 : i32, i32
  }
  func.func @transform_1(%arg0: i32) -> (i32, i32) {
    %c0_i32 = arith.constant 0 : i32
    %c0_i32_0 = arith.constant 0 : i32
    %c0_i32_1 = arith.constant 0 : i32
    return %c0_i32, %c0_i32_0 : i32, i32
  }
  func.func @transform_2(%arg0: i32) -> (i32, i32) {
    %c0_i32 = arith.constant 0 : i32
    %c0_i32_0 = arith.constant 0 : i32
    %c0_i32_1 = arith.constant 0 : i32
    return %c0_i32, %c0_i32_0 : i32, i32
  }
  func.func @transform_3(%arg0: i32) -> (i32, i32) {
    %c0_i32 = arith.constant 0 : i32
    %c0_i32_0 = arith.constant 0 : i32
    return %c0_i32, %arg0 : i32, i32
  }
  func.func @transform_4(%arg0: i32) -> (i32, i32) {
    %c0_i32 = arith.constant 0 : i32
    %c0_i32_0 = arith.constant 0 : i32
    %c0_i32_1 = arith.constant 0 : i32
    return %c0_i32, %c0_i32_0 : i32, i32
  }
}

module attributes {stable_mosaic.version = 14 : i64} {
  func.func @_matmul_stats_kernel(%arg0: i32, %arg1: memref<64x4096xf32, #tpu.memory_space<vmem>>, %arg2: memref<128x64xf32, #tpu.memory_space<vmem>>, %arg3: memref<128x1xf32, #tpu.memory_space<vmem>>, %arg4: memref<128x4096xf32, #tpu.memory_space<vmem>>, %arg5: memref<2x128xf32, #tpu.memory_space<vmem>>) attributes {dimension_semantics = [#tpu.dimension_semantics<arbitrary>], iteration_bounds = array<i64: 16>, scalar_prefetch = 0 : i64, scratch_operands = 0 : i64, tpu.core_type = #tpu.core_type<tc>, window_params = [{transform_indices = @transform_0, window_bounds = array<i64: 64, 4096>}, {pipeline_mode = #tpu.pipeline_mode<synchronous>, transform_indices = @transform_1, window_bounds = array<i64: 128, 64>}, {pipeline_mode = #tpu.pipeline_mode<synchronous>, transform_indices = @transform_2, window_bounds = array<i64: 128, 1>}, {transform_indices = @transform_3, window_bounds = array<i64: 128, 4096>}, {pipeline_mode = #tpu.pipeline_mode<synchronous>, transform_indices = @transform_4, window_bounds = array<i64: 2, 128>}]} {
    %get3A = arith.constant 0 : index
    %get3A_0 = arith.constant 0 : index
    %get3A_1 = vector.load %arg2[%get3A, %get3A_0] : memref<128x64xf32, #tpu.memory_space<vmem>>, vector<128x64xf32>
    %get3A_2 = arith.constant 0 : index
    %get3A_3 = arith.constant 0 : index
    %get3A_4 = vector.load %arg1[%get3A_2, %get3A_3] : memref<64x4096xf32, #tpu.memory_space<vmem>>, vector<64x4096xf32>
    %dot_general3A = arith.constant dense<0.000000e+00> : vector<128x4096xf32>
    %dot_general3A_5 = tpu.matmul %get3A_1, %get3A_4, %dot_general3A {dimension_numbers = #tpu.dot_dimension_numbers<[1], [0], [0], [1], [0, 0, 1, 1], [], []>, transpose_lhs_hint = false} : vector<128x64xf32>, vector<64x4096xf32>, vector<128x4096xf32> -> vector<128x4096xf32>
    %get3A_6 = arith.constant 0 : index
    %get3A_7 = arith.constant 0 : index
    %get3A_8 = vector.load %arg3[%get3A_6, %get3A_7] : memref<128x1xf32, #tpu.memory_space<vmem>>, vector<128x1xf32>
    %add3A = vector.broadcast %get3A_8 : vector<128x1xf32> to vector<128x4096xf32>
    %add3A_9 = arith.addf %dot_general3A_5, %add3A : vector<128x4096xf32>
    %swap3A = arith.constant 0 : index
    %swap3A_10 = arith.constant 0 : index
    %swap3A_11 = vector.load %arg4[%swap3A, %swap3A_10] : memref<128x4096xf32, #tpu.memory_space<vmem>>, vector<128x4096xf32>
    tpu.vector_store %arg4[%swap3A, %swap3A_10], %add3A_9 {strides = array<i32>} : memref<128x4096xf32, #tpu.memory_space<vmem>>, vector<128x4096xf32>,
    %eq3A = arith.constant 0 : i32
    %eq3A_12 = arith.cmpi eq, %arg0, %eq3A : i32
    %convert_element_type3A = arith.extui %eq3A_12 : i1 to i32
    %cond3A = arith.constant 0 : i32
    %cond3A_13 = arith.cmpi ne, %convert_element_type3A, %cond3A : i32
    scf.if %cond3A_13 {
      %broadcast_in_dim3A = arith.constant 0.000000e+00 : f32
      %broadcast_in_dim3A_26 = vector.broadcast %broadcast_in_dim3A : f32 to vector<2x128xf32>
      %swap3A_27 = arith.constant 0 : index
      %swap3A_28 = arith.constant 0 : index
      %swap3A_29 = vector.load %arg5[%swap3A_27, %swap3A_28] : memref<2x128xf32, #tpu.memory_space<vmem>>, vector<2x128xf32>
      tpu.vector_store %arg5[%swap3A_27, %swap3A_28], %broadcast_in_dim3A_26 {strides = array<i32>} : memref<2x128xf32, #tpu.memory_space<vmem>>, vector<2x128xf32>,
    } else {
    }
    %reduce_sum3A = arith.constant dense<0.000000e+00> : vector<128xf32>
    %reduce_sum3A_14 = vector.multi_reduction <add>, %add3A_9, %reduce_sum3A [1] : vector<128x4096xf32> to vector<128xf32>
    %mul3A = arith.mulf %add3A_9, %add3A_9 : vector<128x4096xf32>
    %reduce_sum3A_15 = arith.constant dense<0.000000e+00> : vector<128xf32>
    %reduce_sum3A_16 = vector.multi_reduction <add>, %mul3A, %reduce_sum3A_15 [1] : vector<128x4096xf32> to vector<128xf32>
    %get3A_17 = arith.constant 0 : index
    %get3A_18 = arith.constant 0 : index
    %get3A_19 = vector.load %arg5[%get3A_17, %get3A_18] : memref<2x128xf32, #tpu.memory_space<vmem>>, vector<2x128xf32>
    %stack3A = vector.shape_cast %reduce_sum3A_14 : vector<128xf32> to vector<1x128xf32>
    %stack3A_20 = vector.shape_cast %reduce_sum3A_16 : vector<128xf32> to vector<1x128xf32>
    %stack3A_21 = tpu.concatenate %stack3A, %stack3A_20 in 0 : vector<1x128xf32>, vector<1x128xf32> -> vector<2x128xf32>
    %add3A_22 = arith.addf %get3A_19, %stack3A_21 : vector<2x128xf32>
    %swap3A_23 = arith.constant 0 : index
    %swap3A_24 = arith.constant 0 : index
    %swap3A_25 = vector.load %arg5[%swap3A_23, %swap3A_24] : memref<2x128xf32, #tpu.memory_space<vmem>>, vector<2x128xf32>
    tpu.vector_store %arg5[%swap3A_23, %swap3A_24], %add3A_22 {strides = array<i32>} : memref<2x128xf32, #tpu.memory_space<vmem>>, vector<2x128xf32>,
    return
  }
  func.func @transform_0(%arg0: i32) -> (i32, i32) {
    %c0_i32 = arith.constant 0 : i32
    %c0_i32_0 = arith.constant 0 : i32
    return %c0_i32, %arg0 : i32, i32
  }
  func.func @transform_1(%arg0: i32) -> (i32, i32) {
    %c0_i32 = arith.constant 0 : i32
    %c0_i32_0 = arith.constant 0 : i32
    %c0_i32_1 = arith.constant 0 : i32
    return %c0_i32, %c0_i32_0 : i32, i32
  }
  func.func @transform_2(%arg0: i32) -> (i32, i32) {
    %c0_i32 = arith.constant 0 : i32
    %c0_i32_0 = arith.constant 0 : i32
    %c0_i32_1 = arith.constant 0 : i32
    return %c0_i32, %c0_i32_0 : i32, i32
  }
  func.func @transform_3(%arg0: i32) -> (i32, i32) {
    %c0_i32 = arith.constant 0 : i32
    %c0_i32_0 = arith.constant 0 : i32
    return %c0_i32, %arg0 : i32, i32
  }
  func.func @transform_4(%arg0: i32) -> (i32, i32) {
    %c0_i32 = arith.constant 0 : i32
    %c0_i32_0 = arith.constant 0 : i32
    %c0_i32_1 = arith.constant 0 : i32
    return %c0_i32, %c0_i32_0 : i32, i32
  }
}

module attributes {stable_mosaic.version = 14 : i64} {
  func.func @_scale_relu_kernel(%arg0: i32, %arg1: memref<128x4096xf32, #tpu.memory_space<vmem>>, %arg2: memref<128x1xf32, #tpu.memory_space<vmem>>, %arg3: memref<128x1xf32, #tpu.memory_space<vmem>>, %arg4: memref<128x4096xf32, #tpu.memory_space<vmem>>) attributes {dimension_semantics = [#tpu.dimension_semantics<arbitrary>], iteration_bounds = array<i64: 16>, scalar_prefetch = 0 : i64, scratch_operands = 0 : i64, tpu.core_type = #tpu.core_type<tc>, window_params = [{transform_indices = @transform_0, window_bounds = array<i64: 128, 4096>}, {pipeline_mode = #tpu.pipeline_mode<synchronous>, transform_indices = @transform_1, window_bounds = array<i64: 128, 1>}, {pipeline_mode = #tpu.pipeline_mode<synchronous>, transform_indices = @transform_2, window_bounds = array<i64: 128, 1>}, {transform_indices = @transform_3, window_bounds = array<i64: 128, 4096>}]} {
    %get3A = arith.constant 0 : index
    %get3A_0 = arith.constant 0 : index
    %get3A_1 = vector.load %arg1[%get3A, %get3A_0] : memref<128x4096xf32, #tpu.memory_space<vmem>>, vector<128x4096xf32>
    %get3A_2 = arith.constant 0 : index
    %get3A_3 = arith.constant 0 : index
    %get3A_4 = vector.load %arg2[%get3A_2, %get3A_3] : memref<128x1xf32, #tpu.memory_space<vmem>>, vector<128x1xf32>
    %mul3A = vector.broadcast %get3A_4 : vector<128x1xf32> to vector<128x4096xf32>
    %mul3A_5 = arith.mulf %get3A_1, %mul3A : vector<128x4096xf32>
    %get3A_6 = arith.constant 0 : index
    %get3A_7 = arith.constant 0 : index
    %get3A_8 = vector.load %arg3[%get3A_6, %get3A_7] : memref<128x1xf32, #tpu.memory_space<vmem>>, vector<128x1xf32>
    %add3A = vector.broadcast %get3A_8 : vector<128x1xf32> to vector<128x4096xf32>
    %add3A_9 = arith.addf %mul3A_5, %add3A : vector<128x4096xf32>
    %max3A = arith.constant 0.000000e+00 : f32
    %max3A_10 = vector.broadcast %max3A : f32 to vector<128x4096xf32>
    %max3A_11 = arith.maximumf %add3A_9, %max3A_10 : vector<128x4096xf32>
    %swap3A = arith.constant 0 : index
    %swap3A_12 = arith.constant 0 : index
    %swap3A_13 = vector.load %arg4[%swap3A, %swap3A_12] : memref<128x4096xf32, #tpu.memory_space<vmem>>, vector<128x4096xf32>
    tpu.vector_store %arg4[%swap3A, %swap3A_12], %max3A_11 {strides = array<i32>} : memref<128x4096xf32, #tpu.memory_space<vmem>>, vector<128x4096xf32>,
    return
  }
  func.func @transform_0(%arg0: i32) -> (i32, i32) {
    %c0_i32 = arith.constant 0 : i32
    %c0_i32_0 = arith.constant 0 : i32
    return %c0_i32, %arg0 : i32, i32
  }
  func.func @transform_1(%arg0: i32) -> (i32, i32) {
    %c0_i32 = arith.constant 0 : i32
    %c0_i32_0 = arith.constant 0 : i32
    %c0_i32_1 = arith.constant 0 : i32
    return %c0_i32, %c0_i32_0 : i32, i32
  }
  func.func @transform_2(%arg0: i32) -> (i32, i32) {
    %c0_i32 = arith.constant 0 : i32
    %c0_i32_0 = arith.constant 0 : i32
    %c0_i32_1 = arith.constant 0 : i32
    return %c0_i32, %c0_i32_0 : i32, i32
  }
  func.func @transform_3(%arg0: i32) -> (i32, i32) {
    %c0_i32 = arith.constant 0 : i32
    %c0_i32_0 = arith.constant 0 : i32
    return %c0_i32, %arg0 : i32, i32
  }
}

module attributes {stable_mosaic.version = 14 : i64} {
  func.func @_matmul_stats_kernel(%arg0: i32, %arg1: memref<35x4096xf32, #tpu.memory_space<vmem>>, %arg2: memref<32x35xf32, #tpu.memory_space<vmem>>, %arg3: memref<32x1xf32, #tpu.memory_space<vmem>>, %arg4: memref<32x4096xf32, #tpu.memory_space<vmem>>, %arg5: memref<2x32xf32, #tpu.memory_space<vmem>>) attributes {dimension_semantics = [#tpu.dimension_semantics<arbitrary>], iteration_bounds = array<i64: 8>, scalar_prefetch = 0 : i64, scratch_operands = 0 : i64, tpu.core_type = #tpu.core_type<tc>, window_params = [{transform_indices = @transform_0, window_bounds = array<i64: 35, 4096>}, {pipeline_mode = #tpu.pipeline_mode<synchronous>, transform_indices = @transform_1, window_bounds = array<i64: 32, 35>}, {pipeline_mode = #tpu.pipeline_mode<synchronous>, transform_indices = @transform_2, window_bounds = array<i64: 32, 1>}, {transform_indices = @transform_3, window_bounds = array<i64: 32, 4096>}, {pipeline_mode = #tpu.pipeline_mode<synchronous>, transform_indices = @transform_4, window_bounds = array<i64: 2, 32>}]} {
    %get3A = arith.constant 0 : index
    %get3A_0 = arith.constant 0 : index
    %get3A_1 = vector.load %arg2[%get3A, %get3A_0] : memref<32x35xf32, #tpu.memory_space<vmem>>, vector<32x35xf32>
    %get3A_2 = arith.constant 0 : index
    %get3A_3 = arith.constant 0 : index
    %get3A_4 = vector.load %arg1[%get3A_2, %get3A_3] : memref<35x4096xf32, #tpu.memory_space<vmem>>, vector<35x4096xf32>
    %dot_general3A = arith.constant dense<0.000000e+00> : vector<32x4096xf32>
    %dot_general3A_5 = tpu.matmul %get3A_1, %get3A_4, %dot_general3A {dimension_numbers = #tpu.dot_dimension_numbers<[1], [0], [0], [1], [0, 0, 1, 1], [], []>, transpose_lhs_hint = false} : vector<32x35xf32>, vector<35x4096xf32>, vector<32x4096xf32> -> vector<32x4096xf32>
    %get3A_6 = arith.constant 0 : index
    %get3A_7 = arith.constant 0 : index
    %get3A_8 = vector.load %arg3[%get3A_6, %get3A_7] : memref<32x1xf32, #tpu.memory_space<vmem>>, vector<32x1xf32>
    %add3A = vector.broadcast %get3A_8 : vector<32x1xf32> to vector<32x4096xf32>
    %add3A_9 = arith.addf %dot_general3A_5, %add3A : vector<32x4096xf32>
    %swap3A = arith.constant 0 : index
    %swap3A_10 = arith.constant 0 : index
    %swap3A_11 = vector.load %arg4[%swap3A, %swap3A_10] : memref<32x4096xf32, #tpu.memory_space<vmem>>, vector<32x4096xf32>
    tpu.vector_store %arg4[%swap3A, %swap3A_10], %add3A_9 {strides = array<i32>} : memref<32x4096xf32, #tpu.memory_space<vmem>>, vector<32x4096xf32>,
    %eq3A = arith.constant 0 : i32
    %eq3A_12 = arith.cmpi eq, %arg0, %eq3A : i32
    %convert_element_type3A = arith.extui %eq3A_12 : i1 to i32
    %cond3A = arith.constant 0 : i32
    %cond3A_13 = arith.cmpi ne, %convert_element_type3A, %cond3A : i32
    scf.if %cond3A_13 {
      %broadcast_in_dim3A = arith.constant 0.000000e+00 : f32
      %broadcast_in_dim3A_26 = vector.broadcast %broadcast_in_dim3A : f32 to vector<2x32xf32>
      %swap3A_27 = arith.constant 0 : index
      %swap3A_28 = arith.constant 0 : index
      %swap3A_29 = vector.load %arg5[%swap3A_27, %swap3A_28] : memref<2x32xf32, #tpu.memory_space<vmem>>, vector<2x32xf32>
      tpu.vector_store %arg5[%swap3A_27, %swap3A_28], %broadcast_in_dim3A_26 {strides = array<i32>} : memref<2x32xf32, #tpu.memory_space<vmem>>, vector<2x32xf32>,
    } else {
    }
    %reduce_sum3A = arith.constant dense<0.000000e+00> : vector<32xf32>
    %reduce_sum3A_14 = vector.multi_reduction <add>, %add3A_9, %reduce_sum3A [1] : vector<32x4096xf32> to vector<32xf32>
    %mul3A = arith.mulf %add3A_9, %add3A_9 : vector<32x4096xf32>
    %reduce_sum3A_15 = arith.constant dense<0.000000e+00> : vector<32xf32>
    %reduce_sum3A_16 = vector.multi_reduction <add>, %mul3A, %reduce_sum3A_15 [1] : vector<32x4096xf32> to vector<32xf32>
    %get3A_17 = arith.constant 0 : index
    %get3A_18 = arith.constant 0 : index
    %get3A_19 = vector.load %arg5[%get3A_17, %get3A_18] : memref<2x32xf32, #tpu.memory_space<vmem>>, vector<2x32xf32>
    %stack3A = vector.shape_cast %reduce_sum3A_14 : vector<32xf32> to vector<1x32xf32>
    %stack3A_20 = vector.shape_cast %reduce_sum3A_16 : vector<32xf32> to vector<1x32xf32>
    %stack3A_21 = tpu.concatenate %stack3A, %stack3A_20 in 0 : vector<1x32xf32>, vector<1x32xf32> -> vector<2x32xf32>
    %add3A_22 = arith.addf %get3A_19, %stack3A_21 : vector<2x32xf32>
    %swap3A_23 = arith.constant 0 : index
    %swap3A_24 = arith.constant 0 : index
    %swap3A_25 = vector.load %arg5[%swap3A_23, %swap3A_24] : memref<2x32xf32, #tpu.memory_space<vmem>>, vector<2x32xf32>
    tpu.vector_store %arg5[%swap3A_23, %swap3A_24], %add3A_22 {strides = array<i32>} : memref<2x32xf32, #tpu.memory_space<vmem>>, vector<2x32xf32>,
    return
  }
  func.func @transform_0(%arg0: i32) -> (i32, i32) {
    %c0_i32 = arith.constant 0 : i32
    %c0_i32_0 = arith.constant 0 : i32
    return %c0_i32, %arg0 : i32, i32
  }
  func.func @transform_1(%arg0: i32) -> (i32, i32) {
    %c0_i32 = arith.constant 0 : i32
    %c0_i32_0 = arith.constant 0 : i32
    %c0_i32_1 = arith.constant 0 : i32
    return %c0_i32, %c0_i32_0 : i32, i32
  }
  func.func @transform_2(%arg0: i32) -> (i32, i32) {
    %c0_i32 = arith.constant 0 : i32
    %c0_i32_0 = arith.constant 0 : i32
    %c0_i32_1 = arith.constant 0 : i32
    return %c0_i32, %c0_i32_0 : i32, i32
  }
  func.func @transform_3(%arg0: i32) -> (i32, i32) {
    %c0_i32 = arith.constant 0 : i32
    %c0_i32_0 = arith.constant 0 : i32
    return %c0_i32, %arg0 : i32, i32
  }
  func.func @transform_4(%arg0: i32) -> (i32, i32) {
    %c0_i32 = arith.constant 0 : i32
    %c0_i32_0 = arith.constant 0 : i32
    %c0_i32_1 = arith.constant 0 : i32
    return %c0_i32, %c0_i32_0 : i32, i32
  }
}

module attributes {stable_mosaic.version = 14 : i64} {
  func.func @_scale_relu_kernel(%arg0: i32, %arg1: memref<32x4096xf32, #tpu.memory_space<vmem>>, %arg2: memref<32x1xf32, #tpu.memory_space<vmem>>, %arg3: memref<32x1xf32, #tpu.memory_space<vmem>>, %arg4: memref<32x4096xf32, #tpu.memory_space<vmem>>) attributes {dimension_semantics = [#tpu.dimension_semantics<arbitrary>], iteration_bounds = array<i64: 8>, scalar_prefetch = 0 : i64, scratch_operands = 0 : i64, tpu.core_type = #tpu.core_type<tc>, window_params = [{transform_indices = @transform_0, window_bounds = array<i64: 32, 4096>}, {pipeline_mode = #tpu.pipeline_mode<synchronous>, transform_indices = @transform_1, window_bounds = array<i64: 32, 1>}, {pipeline_mode = #tpu.pipeline_mode<synchronous>, transform_indices = @transform_2, window_bounds = array<i64: 32, 1>}, {transform_indices = @transform_3, window_bounds = array<i64: 32, 4096>}]} {
    %get3A = arith.constant 0 : index
    %get3A_0 = arith.constant 0 : index
    %get3A_1 = vector.load %arg1[%get3A, %get3A_0] : memref<32x4096xf32, #tpu.memory_space<vmem>>, vector<32x4096xf32>
    %get3A_2 = arith.constant 0 : index
    %get3A_3 = arith.constant 0 : index
    %get3A_4 = vector.load %arg2[%get3A_2, %get3A_3] : memref<32x1xf32, #tpu.memory_space<vmem>>, vector<32x1xf32>
    %mul3A = vector.broadcast %get3A_4 : vector<32x1xf32> to vector<32x4096xf32>
    %mul3A_5 = arith.mulf %get3A_1, %mul3A : vector<32x4096xf32>
    %get3A_6 = arith.constant 0 : index
    %get3A_7 = arith.constant 0 : index
    %get3A_8 = vector.load %arg3[%get3A_6, %get3A_7] : memref<32x1xf32, #tpu.memory_space<vmem>>, vector<32x1xf32>
    %add3A = vector.broadcast %get3A_8 : vector<32x1xf32> to vector<32x4096xf32>
    %add3A_9 = arith.addf %mul3A_5, %add3A : vector<32x4096xf32>
    %max3A = arith.constant 0.000000e+00 : f32
    %max3A_10 = vector.broadcast %max3A : f32 to vector<32x4096xf32>
    %max3A_11 = arith.maximumf %add3A_9, %max3A_10 : vector<32x4096xf32>
    %swap3A = arith.constant 0 : index
    %swap3A_12 = arith.constant 0 : index
    %swap3A_13 = vector.load %arg4[%swap3A, %swap3A_12] : memref<32x4096xf32, #tpu.memory_space<vmem>>, vector<32x4096xf32>
    tpu.vector_store %arg4[%swap3A, %swap3A_12], %max3A_11 {strides = array<i32>} : memref<32x4096xf32, #tpu.memory_space<vmem>>, vector<32x4096xf32>,
    return
  }
  func.func @transform_0(%arg0: i32) -> (i32, i32) {
    %c0_i32 = arith.constant 0 : i32
    %c0_i32_0 = arith.constant 0 : i32
    return %c0_i32, %arg0 : i32, i32
  }
  func.func @transform_1(%arg0: i32) -> (i32, i32) {
    %c0_i32 = arith.constant 0 : i32
    %c0_i32_0 = arith.constant 0 : i32
    %c0_i32_1 = arith.constant 0 : i32
    return %c0_i32, %c0_i32_0 : i32, i32
  }
  func.func @transform_2(%arg0: i32) -> (i32, i32) {
    %c0_i32 = arith.constant 0 : i32
    %c0_i32_0 = arith.constant 0 : i32
    %c0_i32_1 = arith.constant 0 : i32
    return %c0_i32, %c0_i32_0 : i32, i32
  }
  func.func @transform_3(%arg0: i32) -> (i32, i32) {
    %c0_i32 = arith.constant 0 : i32
    %c0_i32_0 = arith.constant 0 : i32
    return %c0_i32, %arg0 : i32, i32
  }
}

module attributes {stable_mosaic.version = 14 : i64} {
  func.func @_matmul_stats_kernel(%arg0: i32, %arg1: memref<32x4096xf32, #tpu.memory_space<vmem>>, %arg2: memref<32x32xf32, #tpu.memory_space<vmem>>, %arg3: memref<32x1xf32, #tpu.memory_space<vmem>>, %arg4: memref<32x4096xf32, #tpu.memory_space<vmem>>, %arg5: memref<2x32xf32, #tpu.memory_space<vmem>>) attributes {dimension_semantics = [#tpu.dimension_semantics<arbitrary>], iteration_bounds = array<i64: 8>, scalar_prefetch = 0 : i64, scratch_operands = 0 : i64, tpu.core_type = #tpu.core_type<tc>, window_params = [{transform_indices = @transform_0, window_bounds = array<i64: 32, 4096>}, {pipeline_mode = #tpu.pipeline_mode<synchronous>, transform_indices = @transform_1, window_bounds = array<i64: 32, 32>}, {pipeline_mode = #tpu.pipeline_mode<synchronous>, transform_indices = @transform_2, window_bounds = array<i64: 32, 1>}, {transform_indices = @transform_3, window_bounds = array<i64: 32, 4096>}, {pipeline_mode = #tpu.pipeline_mode<synchronous>, transform_indices = @transform_4, window_bounds = array<i64: 2, 32>}]} {
    %get3A = arith.constant 0 : index
    %get3A_0 = arith.constant 0 : index
    %get3A_1 = vector.load %arg2[%get3A, %get3A_0] : memref<32x32xf32, #tpu.memory_space<vmem>>, vector<32x32xf32>
    %get3A_2 = arith.constant 0 : index
    %get3A_3 = arith.constant 0 : index
    %get3A_4 = vector.load %arg1[%get3A_2, %get3A_3] : memref<32x4096xf32, #tpu.memory_space<vmem>>, vector<32x4096xf32>
    %dot_general3A = arith.constant dense<0.000000e+00> : vector<32x4096xf32>
    %dot_general3A_5 = tpu.matmul %get3A_1, %get3A_4, %dot_general3A {dimension_numbers = #tpu.dot_dimension_numbers<[1], [0], [0], [1], [0, 0, 1, 1], [], []>, transpose_lhs_hint = false} : vector<32x32xf32>, vector<32x4096xf32>, vector<32x4096xf32> -> vector<32x4096xf32>
    %get3A_6 = arith.constant 0 : index
    %get3A_7 = arith.constant 0 : index
    %get3A_8 = vector.load %arg3[%get3A_6, %get3A_7] : memref<32x1xf32, #tpu.memory_space<vmem>>, vector<32x1xf32>
    %add3A = vector.broadcast %get3A_8 : vector<32x1xf32> to vector<32x4096xf32>
    %add3A_9 = arith.addf %dot_general3A_5, %add3A : vector<32x4096xf32>
    %swap3A = arith.constant 0 : index
    %swap3A_10 = arith.constant 0 : index
    %swap3A_11 = vector.load %arg4[%swap3A, %swap3A_10] : memref<32x4096xf32, #tpu.memory_space<vmem>>, vector<32x4096xf32>
    tpu.vector_store %arg4[%swap3A, %swap3A_10], %add3A_9 {strides = array<i32>} : memref<32x4096xf32, #tpu.memory_space<vmem>>, vector<32x4096xf32>,
    %eq3A = arith.constant 0 : i32
    %eq3A_12 = arith.cmpi eq, %arg0, %eq3A : i32
    %convert_element_type3A = arith.extui %eq3A_12 : i1 to i32
    %cond3A = arith.constant 0 : i32
    %cond3A_13 = arith.cmpi ne, %convert_element_type3A, %cond3A : i32
    scf.if %cond3A_13 {
      %broadcast_in_dim3A = arith.constant 0.000000e+00 : f32
      %broadcast_in_dim3A_26 = vector.broadcast %broadcast_in_dim3A : f32 to vector<2x32xf32>
      %swap3A_27 = arith.constant 0 : index
      %swap3A_28 = arith.constant 0 : index
      %swap3A_29 = vector.load %arg5[%swap3A_27, %swap3A_28] : memref<2x32xf32, #tpu.memory_space<vmem>>, vector<2x32xf32>
      tpu.vector_store %arg5[%swap3A_27, %swap3A_28], %broadcast_in_dim3A_26 {strides = array<i32>} : memref<2x32xf32, #tpu.memory_space<vmem>>, vector<2x32xf32>,
    } else {
    }
    %reduce_sum3A = arith.constant dense<0.000000e+00> : vector<32xf32>
    %reduce_sum3A_14 = vector.multi_reduction <add>, %add3A_9, %reduce_sum3A [1] : vector<32x4096xf32> to vector<32xf32>
    %mul3A = arith.mulf %add3A_9, %add3A_9 : vector<32x4096xf32>
    %reduce_sum3A_15 = arith.constant dense<0.000000e+00> : vector<32xf32>
    %reduce_sum3A_16 = vector.multi_reduction <add>, %mul3A, %reduce_sum3A_15 [1] : vector<32x4096xf32> to vector<32xf32>
    %get3A_17 = arith.constant 0 : index
    %get3A_18 = arith.constant 0 : index
    %get3A_19 = vector.load %arg5[%get3A_17, %get3A_18] : memref<2x32xf32, #tpu.memory_space<vmem>>, vector<2x32xf32>
    %stack3A = vector.shape_cast %reduce_sum3A_14 : vector<32xf32> to vector<1x32xf32>
    %stack3A_20 = vector.shape_cast %reduce_sum3A_16 : vector<32xf32> to vector<1x32xf32>
    %stack3A_21 = tpu.concatenate %stack3A, %stack3A_20 in 0 : vector<1x32xf32>, vector<1x32xf32> -> vector<2x32xf32>
    %add3A_22 = arith.addf %get3A_19, %stack3A_21 : vector<2x32xf32>
    %swap3A_23 = arith.constant 0 : index
    %swap3A_24 = arith.constant 0 : index
    %swap3A_25 = vector.load %arg5[%swap3A_23, %swap3A_24] : memref<2x32xf32, #tpu.memory_space<vmem>>, vector<2x32xf32>
    tpu.vector_store %arg5[%swap3A_23, %swap3A_24], %add3A_22 {strides = array<i32>} : memref<2x32xf32, #tpu.memory_space<vmem>>, vector<2x32xf32>,
    return
  }
  func.func @transform_0(%arg0: i32) -> (i32, i32) {
    %c0_i32 = arith.constant 0 : i32
    %c0_i32_0 = arith.constant 0 : i32
    return %c0_i32, %arg0 : i32, i32
  }
  func.func @transform_1(%arg0: i32) -> (i32, i32) {
    %c0_i32 = arith.constant 0 : i32
    %c0_i32_0 = arith.constant 0 : i32
    %c0_i32_1 = arith.constant 0 : i32
    return %c0_i32, %c0_i32_0 : i32, i32
  }
  func.func @transform_2(%arg0: i32) -> (i32, i32) {
    %c0_i32 = arith.constant 0 : i32
    %c0_i32_0 = arith.constant 0 : i32
    %c0_i32_1 = arith.constant 0 : i32
    return %c0_i32, %c0_i32_0 : i32, i32
  }
  func.func @transform_3(%arg0: i32) -> (i32, i32) {
    %c0_i32 = arith.constant 0 : i32
    %c0_i32_0 = arith.constant 0 : i32
    return %c0_i32, %arg0 : i32, i32
  }
  func.func @transform_4(%arg0: i32) -> (i32, i32) {
    %c0_i32 = arith.constant 0 : i32
    %c0_i32_0 = arith.constant 0 : i32
    %c0_i32_1 = arith.constant 0 : i32
    return %c0_i32, %c0_i32_0 : i32, i32
  }
}

module attributes {stable_mosaic.version = 14 : i64} {
  func.func @_matmul_stats_kernel(%arg0: i32, %arg1: memref<32x4096xf32, #tpu.memory_space<vmem>>, %arg2: memref<64x32xf32, #tpu.memory_space<vmem>>, %arg3: memref<64x1xf32, #tpu.memory_space<vmem>>, %arg4: memref<64x4096xf32, #tpu.memory_space<vmem>>, %arg5: memref<2x64xf32, #tpu.memory_space<vmem>>) attributes {dimension_semantics = [#tpu.dimension_semantics<arbitrary>], iteration_bounds = array<i64: 8>, scalar_prefetch = 0 : i64, scratch_operands = 0 : i64, tpu.core_type = #tpu.core_type<tc>, window_params = [{transform_indices = @transform_0, window_bounds = array<i64: 32, 4096>}, {pipeline_mode = #tpu.pipeline_mode<synchronous>, transform_indices = @transform_1, window_bounds = array<i64: 64, 32>}, {pipeline_mode = #tpu.pipeline_mode<synchronous>, transform_indices = @transform_2, window_bounds = array<i64: 64, 1>}, {transform_indices = @transform_3, window_bounds = array<i64: 64, 4096>}, {pipeline_mode = #tpu.pipeline_mode<synchronous>, transform_indices = @transform_4, window_bounds = array<i64: 2, 64>}]} {
    %get3A = arith.constant 0 : index
    %get3A_0 = arith.constant 0 : index
    %get3A_1 = vector.load %arg2[%get3A, %get3A_0] : memref<64x32xf32, #tpu.memory_space<vmem>>, vector<64x32xf32>
    %get3A_2 = arith.constant 0 : index
    %get3A_3 = arith.constant 0 : index
    %get3A_4 = vector.load %arg1[%get3A_2, %get3A_3] : memref<32x4096xf32, #tpu.memory_space<vmem>>, vector<32x4096xf32>
    %dot_general3A = arith.constant dense<0.000000e+00> : vector<64x4096xf32>
    %dot_general3A_5 = tpu.matmul %get3A_1, %get3A_4, %dot_general3A {dimension_numbers = #tpu.dot_dimension_numbers<[1], [0], [0], [1], [0, 0, 1, 1], [], []>, transpose_lhs_hint = false} : vector<64x32xf32>, vector<32x4096xf32>, vector<64x4096xf32> -> vector<64x4096xf32>
    %get3A_6 = arith.constant 0 : index
    %get3A_7 = arith.constant 0 : index
    %get3A_8 = vector.load %arg3[%get3A_6, %get3A_7] : memref<64x1xf32, #tpu.memory_space<vmem>>, vector<64x1xf32>
    %add3A = vector.broadcast %get3A_8 : vector<64x1xf32> to vector<64x4096xf32>
    %add3A_9 = arith.addf %dot_general3A_5, %add3A : vector<64x4096xf32>
    %swap3A = arith.constant 0 : index
    %swap3A_10 = arith.constant 0 : index
    %swap3A_11 = vector.load %arg4[%swap3A, %swap3A_10] : memref<64x4096xf32, #tpu.memory_space<vmem>>, vector<64x4096xf32>
    tpu.vector_store %arg4[%swap3A, %swap3A_10], %add3A_9 {strides = array<i32>} : memref<64x4096xf32, #tpu.memory_space<vmem>>, vector<64x4096xf32>,
    %eq3A = arith.constant 0 : i32
    %eq3A_12 = arith.cmpi eq, %arg0, %eq3A : i32
    %convert_element_type3A = arith.extui %eq3A_12 : i1 to i32
    %cond3A = arith.constant 0 : i32
    %cond3A_13 = arith.cmpi ne, %convert_element_type3A, %cond3A : i32
    scf.if %cond3A_13 {
      %broadcast_in_dim3A = arith.constant 0.000000e+00 : f32
      %broadcast_in_dim3A_26 = vector.broadcast %broadcast_in_dim3A : f32 to vector<2x64xf32>
      %swap3A_27 = arith.constant 0 : index
      %swap3A_28 = arith.constant 0 : index
      %swap3A_29 = vector.load %arg5[%swap3A_27, %swap3A_28] : memref<2x64xf32, #tpu.memory_space<vmem>>, vector<2x64xf32>
      tpu.vector_store %arg5[%swap3A_27, %swap3A_28], %broadcast_in_dim3A_26 {strides = array<i32>} : memref<2x64xf32, #tpu.memory_space<vmem>>, vector<2x64xf32>,
    } else {
    }
    %reduce_sum3A = arith.constant dense<0.000000e+00> : vector<64xf32>
    %reduce_sum3A_14 = vector.multi_reduction <add>, %add3A_9, %reduce_sum3A [1] : vector<64x4096xf32> to vector<64xf32>
    %mul3A = arith.mulf %add3A_9, %add3A_9 : vector<64x4096xf32>
    %reduce_sum3A_15 = arith.constant dense<0.000000e+00> : vector<64xf32>
    %reduce_sum3A_16 = vector.multi_reduction <add>, %mul3A, %reduce_sum3A_15 [1] : vector<64x4096xf32> to vector<64xf32>
    %get3A_17 = arith.constant 0 : index
    %get3A_18 = arith.constant 0 : index
    %get3A_19 = vector.load %arg5[%get3A_17, %get3A_18] : memref<2x64xf32, #tpu.memory_space<vmem>>, vector<2x64xf32>
    %stack3A = vector.shape_cast %reduce_sum3A_14 : vector<64xf32> to vector<1x64xf32>
    %stack3A_20 = vector.shape_cast %reduce_sum3A_16 : vector<64xf32> to vector<1x64xf32>
    %stack3A_21 = tpu.concatenate %stack3A, %stack3A_20 in 0 : vector<1x64xf32>, vector<1x64xf32> -> vector<2x64xf32>
    %add3A_22 = arith.addf %get3A_19, %stack3A_21 : vector<2x64xf32>
    %swap3A_23 = arith.constant 0 : index
    %swap3A_24 = arith.constant 0 : index
    %swap3A_25 = vector.load %arg5[%swap3A_23, %swap3A_24] : memref<2x64xf32, #tpu.memory_space<vmem>>, vector<2x64xf32>
    tpu.vector_store %arg5[%swap3A_23, %swap3A_24], %add3A_22 {strides = array<i32>} : memref<2x64xf32, #tpu.memory_space<vmem>>, vector<2x64xf32>,
    return
  }
  func.func @transform_0(%arg0: i32) -> (i32, i32) {
    %c0_i32 = arith.constant 0 : i32
    %c0_i32_0 = arith.constant 0 : i32
    return %c0_i32, %arg0 : i32, i32
  }
  func.func @transform_1(%arg0: i32) -> (i32, i32) {
    %c0_i32 = arith.constant 0 : i32
    %c0_i32_0 = arith.constant 0 : i32
    %c0_i32_1 = arith.constant 0 : i32
    return %c0_i32, %c0_i32_0 : i32, i32
  }
  func.func @transform_2(%arg0: i32) -> (i32, i32) {
    %c0_i32 = arith.constant 0 : i32
    %c0_i32_0 = arith.constant 0 : i32
    %c0_i32_1 = arith.constant 0 : i32
    return %c0_i32, %c0_i32_0 : i32, i32
  }
  func.func @transform_3(%arg0: i32) -> (i32, i32) {
    %c0_i32 = arith.constant 0 : i32
    %c0_i32_0 = arith.constant 0 : i32
    return %c0_i32, %arg0 : i32, i32
  }
  func.func @transform_4(%arg0: i32) -> (i32, i32) {
    %c0_i32 = arith.constant 0 : i32
    %c0_i32_0 = arith.constant 0 : i32
    %c0_i32_1 = arith.constant 0 : i32
    return %c0_i32, %c0_i32_0 : i32, i32
  }
}

module attributes {stable_mosaic.version = 14 : i64} {
  func.func @_scale_relu_kernel(%arg0: i32, %arg1: memref<64x4096xf32, #tpu.memory_space<vmem>>, %arg2: memref<64x1xf32, #tpu.memory_space<vmem>>, %arg3: memref<64x1xf32, #tpu.memory_space<vmem>>, %arg4: memref<64x4096xf32, #tpu.memory_space<vmem>>) attributes {dimension_semantics = [#tpu.dimension_semantics<arbitrary>], iteration_bounds = array<i64: 8>, scalar_prefetch = 0 : i64, scratch_operands = 0 : i64, tpu.core_type = #tpu.core_type<tc>, window_params = [{transform_indices = @transform_0, window_bounds = array<i64: 64, 4096>}, {pipeline_mode = #tpu.pipeline_mode<synchronous>, transform_indices = @transform_1, window_bounds = array<i64: 64, 1>}, {pipeline_mode = #tpu.pipeline_mode<synchronous>, transform_indices = @transform_2, window_bounds = array<i64: 64, 1>}, {transform_indices = @transform_3, window_bounds = array<i64: 64, 4096>}]} {
    %get3A = arith.constant 0 : index
    %get3A_0 = arith.constant 0 : index
    %get3A_1 = vector.load %arg1[%get3A, %get3A_0] : memref<64x4096xf32, #tpu.memory_space<vmem>>, vector<64x4096xf32>
    %get3A_2 = arith.constant 0 : index
    %get3A_3 = arith.constant 0 : index
    %get3A_4 = vector.load %arg2[%get3A_2, %get3A_3] : memref<64x1xf32, #tpu.memory_space<vmem>>, vector<64x1xf32>
    %mul3A = vector.broadcast %get3A_4 : vector<64x1xf32> to vector<64x4096xf32>
    %mul3A_5 = arith.mulf %get3A_1, %mul3A : vector<64x4096xf32>
    %get3A_6 = arith.constant 0 : index
    %get3A_7 = arith.constant 0 : index
    %get3A_8 = vector.load %arg3[%get3A_6, %get3A_7] : memref<64x1xf32, #tpu.memory_space<vmem>>, vector<64x1xf32>
    %add3A = vector.broadcast %get3A_8 : vector<64x1xf32> to vector<64x4096xf32>
    %add3A_9 = arith.addf %mul3A_5, %add3A : vector<64x4096xf32>
    %max3A = arith.constant 0.000000e+00 : f32
    %max3A_10 = vector.broadcast %max3A : f32 to vector<64x4096xf32>
    %max3A_11 = arith.maximumf %add3A_9, %max3A_10 : vector<64x4096xf32>
    %swap3A = arith.constant 0 : index
    %swap3A_12 = arith.constant 0 : index
    %swap3A_13 = vector.load %arg4[%swap3A, %swap3A_12] : memref<64x4096xf32, #tpu.memory_space<vmem>>, vector<64x4096xf32>
    tpu.vector_store %arg4[%swap3A, %swap3A_12], %max3A_11 {strides = array<i32>} : memref<64x4096xf32, #tpu.memory_space<vmem>>, vector<64x4096xf32>,
    return
  }
  func.func @transform_0(%arg0: i32) -> (i32, i32) {
    %c0_i32 = arith.constant 0 : i32
    %c0_i32_0 = arith.constant 0 : i32
    return %c0_i32, %arg0 : i32, i32
  }
  func.func @transform_1(%arg0: i32) -> (i32, i32) {
    %c0_i32 = arith.constant 0 : i32
    %c0_i32_0 = arith.constant 0 : i32
    %c0_i32_1 = arith.constant 0 : i32
    return %c0_i32, %c0_i32_0 : i32, i32
  }
  func.func @transform_2(%arg0: i32) -> (i32, i32) {
    %c0_i32 = arith.constant 0 : i32
    %c0_i32_0 = arith.constant 0 : i32
    %c0_i32_1 = arith.constant 0 : i32
    return %c0_i32, %c0_i32_0 : i32, i32
  }
  func.func @transform_3(%arg0: i32) -> (i32, i32) {
    %c0_i32 = arith.constant 0 : i32
    %c0_i32_0 = arith.constant 0 : i32
    return %c0_i32, %arg0 : i32, i32
  }
}

module attributes {stable_mosaic.version = 14 : i64} {
  func.func @_matmul_stats_kernel(%arg0: i32, %arg1: memref<35x4096xf32, #tpu.memory_space<vmem>>, %arg2: memref<64x35xf32, #tpu.memory_space<vmem>>, %arg3: memref<64x1xf32, #tpu.memory_space<vmem>>, %arg4: memref<64x4096xf32, #tpu.memory_space<vmem>>, %arg5: memref<2x64xf32, #tpu.memory_space<vmem>>) attributes {dimension_semantics = [#tpu.dimension_semantics<arbitrary>], iteration_bounds = array<i64: 64>, scalar_prefetch = 0 : i64, scratch_operands = 0 : i64, tpu.core_type = #tpu.core_type<tc>, window_params = [{transform_indices = @transform_0, window_bounds = array<i64: 35, 4096>}, {pipeline_mode = #tpu.pipeline_mode<synchronous>, transform_indices = @transform_1, window_bounds = array<i64: 64, 35>}, {pipeline_mode = #tpu.pipeline_mode<synchronous>, transform_indices = @transform_2, window_bounds = array<i64: 64, 1>}, {transform_indices = @transform_3, window_bounds = array<i64: 64, 4096>}, {pipeline_mode = #tpu.pipeline_mode<synchronous>, transform_indices = @transform_4, window_bounds = array<i64: 2, 64>}]} {
    %get3A = arith.constant 0 : index
    %get3A_0 = arith.constant 0 : index
    %get3A_1 = vector.load %arg2[%get3A, %get3A_0] : memref<64x35xf32, #tpu.memory_space<vmem>>, vector<64x35xf32>
    %get3A_2 = arith.constant 0 : index
    %get3A_3 = arith.constant 0 : index
    %get3A_4 = vector.load %arg1[%get3A_2, %get3A_3] : memref<35x4096xf32, #tpu.memory_space<vmem>>, vector<35x4096xf32>
    %dot_general3A = arith.constant dense<0.000000e+00> : vector<64x4096xf32>
    %dot_general3A_5 = tpu.matmul %get3A_1, %get3A_4, %dot_general3A {dimension_numbers = #tpu.dot_dimension_numbers<[1], [0], [0], [1], [0, 0, 1, 1], [], []>, transpose_lhs_hint = false} : vector<64x35xf32>, vector<35x4096xf32>, vector<64x4096xf32> -> vector<64x4096xf32>
    %get3A_6 = arith.constant 0 : index
    %get3A_7 = arith.constant 0 : index
    %get3A_8 = vector.load %arg3[%get3A_6, %get3A_7] : memref<64x1xf32, #tpu.memory_space<vmem>>, vector<64x1xf32>
    %add3A = vector.broadcast %get3A_8 : vector<64x1xf32> to vector<64x4096xf32>
    %add3A_9 = arith.addf %dot_general3A_5, %add3A : vector<64x4096xf32>
    %swap3A = arith.constant 0 : index
    %swap3A_10 = arith.constant 0 : index
    %swap3A_11 = vector.load %arg4[%swap3A, %swap3A_10] : memref<64x4096xf32, #tpu.memory_space<vmem>>, vector<64x4096xf32>
    tpu.vector_store %arg4[%swap3A, %swap3A_10], %add3A_9 {strides = array<i32>} : memref<64x4096xf32, #tpu.memory_space<vmem>>, vector<64x4096xf32>,
    %eq3A = arith.constant 0 : i32
    %eq3A_12 = arith.cmpi eq, %arg0, %eq3A : i32
    %convert_element_type3A = arith.extui %eq3A_12 : i1 to i32
    %cond3A = arith.constant 0 : i32
    %cond3A_13 = arith.cmpi ne, %convert_element_type3A, %cond3A : i32
    scf.if %cond3A_13 {
      %broadcast_in_dim3A = arith.constant 0.000000e+00 : f32
      %broadcast_in_dim3A_26 = vector.broadcast %broadcast_in_dim3A : f32 to vector<2x64xf32>
      %swap3A_27 = arith.constant 0 : index
      %swap3A_28 = arith.constant 0 : index
      %swap3A_29 = vector.load %arg5[%swap3A_27, %swap3A_28] : memref<2x64xf32, #tpu.memory_space<vmem>>, vector<2x64xf32>
      tpu.vector_store %arg5[%swap3A_27, %swap3A_28], %broadcast_in_dim3A_26 {strides = array<i32>} : memref<2x64xf32, #tpu.memory_space<vmem>>, vector<2x64xf32>,
    } else {
    }
    %reduce_sum3A = arith.constant dense<0.000000e+00> : vector<64xf32>
    %reduce_sum3A_14 = vector.multi_reduction <add>, %add3A_9, %reduce_sum3A [1] : vector<64x4096xf32> to vector<64xf32>
    %mul3A = arith.mulf %add3A_9, %add3A_9 : vector<64x4096xf32>
    %reduce_sum3A_15 = arith.constant dense<0.000000e+00> : vector<64xf32>
    %reduce_sum3A_16 = vector.multi_reduction <add>, %mul3A, %reduce_sum3A_15 [1] : vector<64x4096xf32> to vector<64xf32>
    %get3A_17 = arith.constant 0 : index
    %get3A_18 = arith.constant 0 : index
    %get3A_19 = vector.load %arg5[%get3A_17, %get3A_18] : memref<2x64xf32, #tpu.memory_space<vmem>>, vector<2x64xf32>
    %stack3A = vector.shape_cast %reduce_sum3A_14 : vector<64xf32> to vector<1x64xf32>
    %stack3A_20 = vector.shape_cast %reduce_sum3A_16 : vector<64xf32> to vector<1x64xf32>
    %stack3A_21 = tpu.concatenate %stack3A, %stack3A_20 in 0 : vector<1x64xf32>, vector<1x64xf32> -> vector<2x64xf32>
    %add3A_22 = arith.addf %get3A_19, %stack3A_21 : vector<2x64xf32>
    %swap3A_23 = arith.constant 0 : index
    %swap3A_24 = arith.constant 0 : index
    %swap3A_25 = vector.load %arg5[%swap3A_23, %swap3A_24] : memref<2x64xf32, #tpu.memory_space<vmem>>, vector<2x64xf32>
    tpu.vector_store %arg5[%swap3A_23, %swap3A_24], %add3A_22 {strides = array<i32>} : memref<2x64xf32, #tpu.memory_space<vmem>>, vector<2x64xf32>,
    return
  }
  func.func @transform_0(%arg0: i32) -> (i32, i32) {
    %c0_i32 = arith.constant 0 : i32
    %c0_i32_0 = arith.constant 0 : i32
    return %c0_i32, %arg0 : i32, i32
  }
  func.func @transform_1(%arg0: i32) -> (i32, i32) {
    %c0_i32 = arith.constant 0 : i32
    %c0_i32_0 = arith.constant 0 : i32
    %c0_i32_1 = arith.constant 0 : i32
    return %c0_i32, %c0_i32_0 : i32, i32
  }
  func.func @transform_2(%arg0: i32) -> (i32, i32) {
    %c0_i32 = arith.constant 0 : i32
    %c0_i32_0 = arith.constant 0 : i32
    %c0_i32_1 = arith.constant 0 : i32
    return %c0_i32, %c0_i32_0 : i32, i32
  }
  func.func @transform_3(%arg0: i32) -> (i32, i32) {
    %c0_i32 = arith.constant 0 : i32
    %c0_i32_0 = arith.constant 0 : i32
    return %c0_i32, %arg0 : i32, i32
  }
  func.func @transform_4(%arg0: i32) -> (i32, i32) {
    %c0_i32 = arith.constant 0 : i32
    %c0_i32_0 = arith.constant 0 : i32
    %c0_i32_1 = arith.constant 0 : i32
    return %c0_i32, %c0_i32_0 : i32, i32
  }
}

module attributes {stable_mosaic.version = 14 : i64} {
  func.func @_scale_relu_kernel(%arg0: i32, %arg1: memref<64x4096xf32, #tpu.memory_space<vmem>>, %arg2: memref<64x1xf32, #tpu.memory_space<vmem>>, %arg3: memref<64x1xf32, #tpu.memory_space<vmem>>, %arg4: memref<64x4096xf32, #tpu.memory_space<vmem>>) attributes {dimension_semantics = [#tpu.dimension_semantics<arbitrary>], iteration_bounds = array<i64: 64>, scalar_prefetch = 0 : i64, scratch_operands = 0 : i64, tpu.core_type = #tpu.core_type<tc>, window_params = [{transform_indices = @transform_0, window_bounds = array<i64: 64, 4096>}, {pipeline_mode = #tpu.pipeline_mode<synchronous>, transform_indices = @transform_1, window_bounds = array<i64: 64, 1>}, {pipeline_mode = #tpu.pipeline_mode<synchronous>, transform_indices = @transform_2, window_bounds = array<i64: 64, 1>}, {transform_indices = @transform_3, window_bounds = array<i64: 64, 4096>}]} {
    %get3A = arith.constant 0 : index
    %get3A_0 = arith.constant 0 : index
    %get3A_1 = vector.load %arg1[%get3A, %get3A_0] : memref<64x4096xf32, #tpu.memory_space<vmem>>, vector<64x4096xf32>
    %get3A_2 = arith.constant 0 : index
    %get3A_3 = arith.constant 0 : index
    %get3A_4 = vector.load %arg2[%get3A_2, %get3A_3] : memref<64x1xf32, #tpu.memory_space<vmem>>, vector<64x1xf32>
    %mul3A = vector.broadcast %get3A_4 : vector<64x1xf32> to vector<64x4096xf32>
    %mul3A_5 = arith.mulf %get3A_1, %mul3A : vector<64x4096xf32>
    %get3A_6 = arith.constant 0 : index
    %get3A_7 = arith.constant 0 : index
    %get3A_8 = vector.load %arg3[%get3A_6, %get3A_7] : memref<64x1xf32, #tpu.memory_space<vmem>>, vector<64x1xf32>
    %add3A = vector.broadcast %get3A_8 : vector<64x1xf32> to vector<64x4096xf32>
    %add3A_9 = arith.addf %mul3A_5, %add3A : vector<64x4096xf32>
    %max3A = arith.constant 0.000000e+00 : f32
    %max3A_10 = vector.broadcast %max3A : f32 to vector<64x4096xf32>
    %max3A_11 = arith.maximumf %add3A_9, %max3A_10 : vector<64x4096xf32>
    %swap3A = arith.constant 0 : index
    %swap3A_12 = arith.constant 0 : index
    %swap3A_13 = vector.load %arg4[%swap3A, %swap3A_12] : memref<64x4096xf32, #tpu.memory_space<vmem>>, vector<64x4096xf32>
    tpu.vector_store %arg4[%swap3A, %swap3A_12], %max3A_11 {strides = array<i32>} : memref<64x4096xf32, #tpu.memory_space<vmem>>, vector<64x4096xf32>,
    return
  }
  func.func @transform_0(%arg0: i32) -> (i32, i32) {
    %c0_i32 = arith.constant 0 : i32
    %c0_i32_0 = arith.constant 0 : i32
    return %c0_i32, %arg0 : i32, i32
  }
  func.func @transform_1(%arg0: i32) -> (i32, i32) {
    %c0_i32 = arith.constant 0 : i32
    %c0_i32_0 = arith.constant 0 : i32
    %c0_i32_1 = arith.constant 0 : i32
    return %c0_i32, %c0_i32_0 : i32, i32
  }
  func.func @transform_2(%arg0: i32) -> (i32, i32) {
    %c0_i32 = arith.constant 0 : i32
    %c0_i32_0 = arith.constant 0 : i32
    %c0_i32_1 = arith.constant 0 : i32
    return %c0_i32, %c0_i32_0 : i32, i32
  }
  func.func @transform_3(%arg0: i32) -> (i32, i32) {
    %c0_i32 = arith.constant 0 : i32
    %c0_i32_0 = arith.constant 0 : i32
    return %c0_i32, %arg0 : i32, i32
  }
}

module attributes {stable_mosaic.version = 14 : i64} {
  func.func @_matmul_stats_kernel(%arg0: i32, %arg1: memref<64x4096xf32, #tpu.memory_space<vmem>>, %arg2: memref<96x64xf32, #tpu.memory_space<vmem>>, %arg3: memref<96x1xf32, #tpu.memory_space<vmem>>, %arg4: memref<96x4096xf32, #tpu.memory_space<vmem>>, %arg5: memref<2x96xf32, #tpu.memory_space<vmem>>) attributes {dimension_semantics = [#tpu.dimension_semantics<arbitrary>], iteration_bounds = array<i64: 64>, scalar_prefetch = 0 : i64, scratch_operands = 0 : i64, tpu.core_type = #tpu.core_type<tc>, window_params = [{transform_indices = @transform_0, window_bounds = array<i64: 64, 4096>}, {pipeline_mode = #tpu.pipeline_mode<synchronous>, transform_indices = @transform_1, window_bounds = array<i64: 96, 64>}, {pipeline_mode = #tpu.pipeline_mode<synchronous>, transform_indices = @transform_2, window_bounds = array<i64: 96, 1>}, {transform_indices = @transform_3, window_bounds = array<i64: 96, 4096>}, {pipeline_mode = #tpu.pipeline_mode<synchronous>, transform_indices = @transform_4, window_bounds = array<i64: 2, 96>}]} {
    %get3A = arith.constant 0 : index
    %get3A_0 = arith.constant 0 : index
    %get3A_1 = vector.load %arg2[%get3A, %get3A_0] : memref<96x64xf32, #tpu.memory_space<vmem>>, vector<96x64xf32>
    %get3A_2 = arith.constant 0 : index
    %get3A_3 = arith.constant 0 : index
    %get3A_4 = vector.load %arg1[%get3A_2, %get3A_3] : memref<64x4096xf32, #tpu.memory_space<vmem>>, vector<64x4096xf32>
    %dot_general3A = arith.constant dense<0.000000e+00> : vector<96x4096xf32>
    %dot_general3A_5 = tpu.matmul %get3A_1, %get3A_4, %dot_general3A {dimension_numbers = #tpu.dot_dimension_numbers<[1], [0], [0], [1], [0, 0, 1, 1], [], []>, transpose_lhs_hint = false} : vector<96x64xf32>, vector<64x4096xf32>, vector<96x4096xf32> -> vector<96x4096xf32>
    %get3A_6 = arith.constant 0 : index
    %get3A_7 = arith.constant 0 : index
    %get3A_8 = vector.load %arg3[%get3A_6, %get3A_7] : memref<96x1xf32, #tpu.memory_space<vmem>>, vector<96x1xf32>
    %add3A = vector.broadcast %get3A_8 : vector<96x1xf32> to vector<96x4096xf32>
    %add3A_9 = arith.addf %dot_general3A_5, %add3A : vector<96x4096xf32>
    %swap3A = arith.constant 0 : index
    %swap3A_10 = arith.constant 0 : index
    %swap3A_11 = vector.load %arg4[%swap3A, %swap3A_10] : memref<96x4096xf32, #tpu.memory_space<vmem>>, vector<96x4096xf32>
    tpu.vector_store %arg4[%swap3A, %swap3A_10], %add3A_9 {strides = array<i32>} : memref<96x4096xf32, #tpu.memory_space<vmem>>, vector<96x4096xf32>,
    %eq3A = arith.constant 0 : i32
    %eq3A_12 = arith.cmpi eq, %arg0, %eq3A : i32
    %convert_element_type3A = arith.extui %eq3A_12 : i1 to i32
    %cond3A = arith.constant 0 : i32
    %cond3A_13 = arith.cmpi ne, %convert_element_type3A, %cond3A : i32
    scf.if %cond3A_13 {
      %broadcast_in_dim3A = arith.constant 0.000000e+00 : f32
      %broadcast_in_dim3A_26 = vector.broadcast %broadcast_in_dim3A : f32 to vector<2x96xf32>
      %swap3A_27 = arith.constant 0 : index
      %swap3A_28 = arith.constant 0 : index
      %swap3A_29 = vector.load %arg5[%swap3A_27, %swap3A_28] : memref<2x96xf32, #tpu.memory_space<vmem>>, vector<2x96xf32>
      tpu.vector_store %arg5[%swap3A_27, %swap3A_28], %broadcast_in_dim3A_26 {strides = array<i32>} : memref<2x96xf32, #tpu.memory_space<vmem>>, vector<2x96xf32>,
    } else {
    }
    %reduce_sum3A = arith.constant dense<0.000000e+00> : vector<96xf32>
    %reduce_sum3A_14 = vector.multi_reduction <add>, %add3A_9, %reduce_sum3A [1] : vector<96x4096xf32> to vector<96xf32>
    %mul3A = arith.mulf %add3A_9, %add3A_9 : vector<96x4096xf32>
    %reduce_sum3A_15 = arith.constant dense<0.000000e+00> : vector<96xf32>
    %reduce_sum3A_16 = vector.multi_reduction <add>, %mul3A, %reduce_sum3A_15 [1] : vector<96x4096xf32> to vector<96xf32>
    %get3A_17 = arith.constant 0 : index
    %get3A_18 = arith.constant 0 : index
    %get3A_19 = vector.load %arg5[%get3A_17, %get3A_18] : memref<2x96xf32, #tpu.memory_space<vmem>>, vector<2x96xf32>
    %stack3A = vector.shape_cast %reduce_sum3A_14 : vector<96xf32> to vector<1x96xf32>
    %stack3A_20 = vector.shape_cast %reduce_sum3A_16 : vector<96xf32> to vector<1x96xf32>
    %stack3A_21 = tpu.concatenate %stack3A, %stack3A_20 in 0 : vector<1x96xf32>, vector<1x96xf32> -> vector<2x96xf32>
    %add3A_22 = arith.addf %get3A_19, %stack3A_21 : vector<2x96xf32>
    %swap3A_23 = arith.constant 0 : index
    %swap3A_24 = arith.constant 0 : index
    %swap3A_25 = vector.load %arg5[%swap3A_23, %swap3A_24] : memref<2x96xf32, #tpu.memory_space<vmem>>, vector<2x96xf32>
    tpu.vector_store %arg5[%swap3A_23, %swap3A_24], %add3A_22 {strides = array<i32>} : memref<2x96xf32, #tpu.memory_space<vmem>>, vector<2x96xf32>,
    return
  }
  func.func @transform_0(%arg0: i32) -> (i32, i32) {
    %c0_i32 = arith.constant 0 : i32
    %c0_i32_0 = arith.constant 0 : i32
    return %c0_i32, %arg0 : i32, i32
  }
  func.func @transform_1(%arg0: i32) -> (i32, i32) {
    %c0_i32 = arith.constant 0 : i32
    %c0_i32_0 = arith.constant 0 : i32
    %c0_i32_1 = arith.constant 0 : i32
    return %c0_i32, %c0_i32_0 : i32, i32
  }
  func.func @transform_2(%arg0: i32) -> (i32, i32) {
    %c0_i32 = arith.constant 0 : i32
    %c0_i32_0 = arith.constant 0 : i32
    %c0_i32_1 = arith.constant 0 : i32
    return %c0_i32, %c0_i32_0 : i32, i32
  }
  func.func @transform_3(%arg0: i32) -> (i32, i32) {
    %c0_i32 = arith.constant 0 : i32
    %c0_i32_0 = arith.constant 0 : i32
    return %c0_i32, %arg0 : i32, i32
  }
  func.func @transform_4(%arg0: i32) -> (i32, i32) {
    %c0_i32 = arith.constant 0 : i32
    %c0_i32_0 = arith.constant 0 : i32
    %c0_i32_1 = arith.constant 0 : i32
    return %c0_i32, %c0_i32_0 : i32, i32
  }
}

module attributes {stable_mosaic.version = 14 : i64} {
  func.func @_scale_relu_kernel(%arg0: i32, %arg1: memref<96x4096xf32, #tpu.memory_space<vmem>>, %arg2: memref<96x1xf32, #tpu.memory_space<vmem>>, %arg3: memref<96x1xf32, #tpu.memory_space<vmem>>, %arg4: memref<96x4096xf32, #tpu.memory_space<vmem>>) attributes {dimension_semantics = [#tpu.dimension_semantics<arbitrary>], iteration_bounds = array<i64: 64>, scalar_prefetch = 0 : i64, scratch_operands = 0 : i64, tpu.core_type = #tpu.core_type<tc>, window_params = [{transform_indices = @transform_0, window_bounds = array<i64: 96, 4096>}, {pipeline_mode = #tpu.pipeline_mode<synchronous>, transform_indices = @transform_1, window_bounds = array<i64: 96, 1>}, {pipeline_mode = #tpu.pipeline_mode<synchronous>, transform_indices = @transform_2, window_bounds = array<i64: 96, 1>}, {transform_indices = @transform_3, window_bounds = array<i64: 96, 4096>}]} {
    %get3A = arith.constant 0 : index
    %get3A_0 = arith.constant 0 : index
    %get3A_1 = vector.load %arg1[%get3A, %get3A_0] : memref<96x4096xf32, #tpu.memory_space<vmem>>, vector<96x4096xf32>
    %get3A_2 = arith.constant 0 : index
    %get3A_3 = arith.constant 0 : index
    %get3A_4 = vector.load %arg2[%get3A_2, %get3A_3] : memref<96x1xf32, #tpu.memory_space<vmem>>, vector<96x1xf32>
    %mul3A = vector.broadcast %get3A_4 : vector<96x1xf32> to vector<96x4096xf32>
    %mul3A_5 = arith.mulf %get3A_1, %mul3A : vector<96x4096xf32>
    %get3A_6 = arith.constant 0 : index
    %get3A_7 = arith.constant 0 : index
    %get3A_8 = vector.load %arg3[%get3A_6, %get3A_7] : memref<96x1xf32, #tpu.memory_space<vmem>>, vector<96x1xf32>
    %add3A = vector.broadcast %get3A_8 : vector<96x1xf32> to vector<96x4096xf32>
    %add3A_9 = arith.addf %mul3A_5, %add3A : vector<96x4096xf32>
    %max3A = arith.constant 0.000000e+00 : f32
    %max3A_10 = vector.broadcast %max3A : f32 to vector<96x4096xf32>
    %max3A_11 = arith.maximumf %add3A_9, %max3A_10 : vector<96x4096xf32>
    %swap3A = arith.constant 0 : index
    %swap3A_12 = arith.constant 0 : index
    %swap3A_13 = vector.load %arg4[%swap3A, %swap3A_12] : memref<96x4096xf32, #tpu.memory_space<vmem>>, vector<96x4096xf32>
    tpu.vector_store %arg4[%swap3A, %swap3A_12], %max3A_11 {strides = array<i32>} : memref<96x4096xf32, #tpu.memory_space<vmem>>, vector<96x4096xf32>,
    return
  }
  func.func @transform_0(%arg0: i32) -> (i32, i32) {
    %c0_i32 = arith.constant 0 : i32
    %c0_i32_0 = arith.constant 0 : i32
    return %c0_i32, %arg0 : i32, i32
  }
  func.func @transform_1(%arg0: i32) -> (i32, i32) {
    %c0_i32 = arith.constant 0 : i32
    %c0_i32_0 = arith.constant 0 : i32
    %c0_i32_1 = arith.constant 0 : i32
    return %c0_i32, %c0_i32_0 : i32, i32
  }
  func.func @transform_2(%arg0: i32) -> (i32, i32) {
    %c0_i32 = arith.constant 0 : i32
    %c0_i32_0 = arith.constant 0 : i32
    %c0_i32_1 = arith.constant 0 : i32
    return %c0_i32, %c0_i32_0 : i32, i32
  }
  func.func @transform_3(%arg0: i32) -> (i32, i32) {
    %c0_i32 = arith.constant 0 : i32
    %c0_i32_0 = arith.constant 0 : i32
    return %c0_i32, %arg0 : i32, i32
  }
}

module attributes {stable_mosaic.version = 14 : i64} {
  func.func @_matmul_stats_kernel(%arg0: i32, %arg1: memref<96x4096xf32, #tpu.memory_space<vmem>>, %arg2: memref<128x96xf32, #tpu.memory_space<vmem>>, %arg3: memref<128x1xf32, #tpu.memory_space<vmem>>, %arg4: memref<128x4096xf32, #tpu.memory_space<vmem>>, %arg5: memref<2x128xf32, #tpu.memory_space<vmem>>) attributes {dimension_semantics = [#tpu.dimension_semantics<arbitrary>], iteration_bounds = array<i64: 64>, scalar_prefetch = 0 : i64, scratch_operands = 0 : i64, tpu.core_type = #tpu.core_type<tc>, window_params = [{transform_indices = @transform_0, window_bounds = array<i64: 96, 4096>}, {pipeline_mode = #tpu.pipeline_mode<synchronous>, transform_indices = @transform_1, window_bounds = array<i64: 128, 96>}, {pipeline_mode = #tpu.pipeline_mode<synchronous>, transform_indices = @transform_2, window_bounds = array<i64: 128, 1>}, {transform_indices = @transform_3, window_bounds = array<i64: 128, 4096>}, {pipeline_mode = #tpu.pipeline_mode<synchronous>, transform_indices = @transform_4, window_bounds = array<i64: 2, 128>}]} {
    %get3A = arith.constant 0 : index
    %get3A_0 = arith.constant 0 : index
    %get3A_1 = vector.load %arg2[%get3A, %get3A_0] : memref<128x96xf32, #tpu.memory_space<vmem>>, vector<128x96xf32>
    %get3A_2 = arith.constant 0 : index
    %get3A_3 = arith.constant 0 : index
    %get3A_4 = vector.load %arg1[%get3A_2, %get3A_3] : memref<96x4096xf32, #tpu.memory_space<vmem>>, vector<96x4096xf32>
    %dot_general3A = arith.constant dense<0.000000e+00> : vector<128x4096xf32>
    %dot_general3A_5 = tpu.matmul %get3A_1, %get3A_4, %dot_general3A {dimension_numbers = #tpu.dot_dimension_numbers<[1], [0], [0], [1], [0, 0, 1, 1], [], []>, transpose_lhs_hint = false} : vector<128x96xf32>, vector<96x4096xf32>, vector<128x4096xf32> -> vector<128x4096xf32>
    %get3A_6 = arith.constant 0 : index
    %get3A_7 = arith.constant 0 : index
    %get3A_8 = vector.load %arg3[%get3A_6, %get3A_7] : memref<128x1xf32, #tpu.memory_space<vmem>>, vector<128x1xf32>
    %add3A = vector.broadcast %get3A_8 : vector<128x1xf32> to vector<128x4096xf32>
    %add3A_9 = arith.addf %dot_general3A_5, %add3A : vector<128x4096xf32>
    %swap3A = arith.constant 0 : index
    %swap3A_10 = arith.constant 0 : index
    %swap3A_11 = vector.load %arg4[%swap3A, %swap3A_10] : memref<128x4096xf32, #tpu.memory_space<vmem>>, vector<128x4096xf32>
    tpu.vector_store %arg4[%swap3A, %swap3A_10], %add3A_9 {strides = array<i32>} : memref<128x4096xf32, #tpu.memory_space<vmem>>, vector<128x4096xf32>,
    %eq3A = arith.constant 0 : i32
    %eq3A_12 = arith.cmpi eq, %arg0, %eq3A : i32
    %convert_element_type3A = arith.extui %eq3A_12 : i1 to i32
    %cond3A = arith.constant 0 : i32
    %cond3A_13 = arith.cmpi ne, %convert_element_type3A, %cond3A : i32
    scf.if %cond3A_13 {
      %broadcast_in_dim3A = arith.constant 0.000000e+00 : f32
      %broadcast_in_dim3A_26 = vector.broadcast %broadcast_in_dim3A : f32 to vector<2x128xf32>
      %swap3A_27 = arith.constant 0 : index
      %swap3A_28 = arith.constant 0 : index
      %swap3A_29 = vector.load %arg5[%swap3A_27, %swap3A_28] : memref<2x128xf32, #tpu.memory_space<vmem>>, vector<2x128xf32>
      tpu.vector_store %arg5[%swap3A_27, %swap3A_28], %broadcast_in_dim3A_26 {strides = array<i32>} : memref<2x128xf32, #tpu.memory_space<vmem>>, vector<2x128xf32>,
    } else {
    }
    %reduce_sum3A = arith.constant dense<0.000000e+00> : vector<128xf32>
    %reduce_sum3A_14 = vector.multi_reduction <add>, %add3A_9, %reduce_sum3A [1] : vector<128x4096xf32> to vector<128xf32>
    %mul3A = arith.mulf %add3A_9, %add3A_9 : vector<128x4096xf32>
    %reduce_sum3A_15 = arith.constant dense<0.000000e+00> : vector<128xf32>
    %reduce_sum3A_16 = vector.multi_reduction <add>, %mul3A, %reduce_sum3A_15 [1] : vector<128x4096xf32> to vector<128xf32>
    %get3A_17 = arith.constant 0 : index
    %get3A_18 = arith.constant 0 : index
    %get3A_19 = vector.load %arg5[%get3A_17, %get3A_18] : memref<2x128xf32, #tpu.memory_space<vmem>>, vector<2x128xf32>
    %stack3A = vector.shape_cast %reduce_sum3A_14 : vector<128xf32> to vector<1x128xf32>
    %stack3A_20 = vector.shape_cast %reduce_sum3A_16 : vector<128xf32> to vector<1x128xf32>
    %stack3A_21 = tpu.concatenate %stack3A, %stack3A_20 in 0 : vector<1x128xf32>, vector<1x128xf32> -> vector<2x128xf32>
    %add3A_22 = arith.addf %get3A_19, %stack3A_21 : vector<2x128xf32>
    %swap3A_23 = arith.constant 0 : index
    %swap3A_24 = arith.constant 0 : index
    %swap3A_25 = vector.load %arg5[%swap3A_23, %swap3A_24] : memref<2x128xf32, #tpu.memory_space<vmem>>, vector<2x128xf32>
    tpu.vector_store %arg5[%swap3A_23, %swap3A_24], %add3A_22 {strides = array<i32>} : memref<2x128xf32, #tpu.memory_space<vmem>>, vector<2x128xf32>,
    return
  }
  func.func @transform_0(%arg0: i32) -> (i32, i32) {
    %c0_i32 = arith.constant 0 : i32
    %c0_i32_0 = arith.constant 0 : i32
    return %c0_i32, %arg0 : i32, i32
  }
  func.func @transform_1(%arg0: i32) -> (i32, i32) {
    %c0_i32 = arith.constant 0 : i32
    %c0_i32_0 = arith.constant 0 : i32
    %c0_i32_1 = arith.constant 0 : i32
    return %c0_i32, %c0_i32_0 : i32, i32
  }
  func.func @transform_2(%arg0: i32) -> (i32, i32) {
    %c0_i32 = arith.constant 0 : i32
    %c0_i32_0 = arith.constant 0 : i32
    %c0_i32_1 = arith.constant 0 : i32
    return %c0_i32, %c0_i32_0 : i32, i32
  }
  func.func @transform_3(%arg0: i32) -> (i32, i32) {
    %c0_i32 = arith.constant 0 : i32
    %c0_i32_0 = arith.constant 0 : i32
    return %c0_i32, %arg0 : i32, i32
  }
  func.func @transform_4(%arg0: i32) -> (i32, i32) {
    %c0_i32 = arith.constant 0 : i32
    %c0_i32_0 = arith.constant 0 : i32
    %c0_i32_1 = arith.constant 0 : i32
    return %c0_i32, %c0_i32_0 : i32, i32
  }
}

module attributes {stable_mosaic.version = 14 : i64} {
  func.func @_scale_relu_kernel(%arg0: i32, %arg1: memref<128x4096xf32, #tpu.memory_space<vmem>>, %arg2: memref<128x1xf32, #tpu.memory_space<vmem>>, %arg3: memref<128x1xf32, #tpu.memory_space<vmem>>, %arg4: memref<128x4096xf32, #tpu.memory_space<vmem>>) attributes {dimension_semantics = [#tpu.dimension_semantics<arbitrary>], iteration_bounds = array<i64: 64>, scalar_prefetch = 0 : i64, scratch_operands = 0 : i64, tpu.core_type = #tpu.core_type<tc>, window_params = [{transform_indices = @transform_0, window_bounds = array<i64: 128, 4096>}, {pipeline_mode = #tpu.pipeline_mode<synchronous>, transform_indices = @transform_1, window_bounds = array<i64: 128, 1>}, {pipeline_mode = #tpu.pipeline_mode<synchronous>, transform_indices = @transform_2, window_bounds = array<i64: 128, 1>}, {transform_indices = @transform_3, window_bounds = array<i64: 128, 4096>}]} {
    %get3A = arith.constant 0 : index
    %get3A_0 = arith.constant 0 : index
    %get3A_1 = vector.load %arg1[%get3A, %get3A_0] : memref<128x4096xf32, #tpu.memory_space<vmem>>, vector<128x4096xf32>
    %get3A_2 = arith.constant 0 : index
    %get3A_3 = arith.constant 0 : index
    %get3A_4 = vector.load %arg2[%get3A_2, %get3A_3] : memref<128x1xf32, #tpu.memory_space<vmem>>, vector<128x1xf32>
    %mul3A = vector.broadcast %get3A_4 : vector<128x1xf32> to vector<128x4096xf32>
    %mul3A_5 = arith.mulf %get3A_1, %mul3A : vector<128x4096xf32>
    %get3A_6 = arith.constant 0 : index
    %get3A_7 = arith.constant 0 : index
    %get3A_8 = vector.load %arg3[%get3A_6, %get3A_7] : memref<128x1xf32, #tpu.memory_space<vmem>>, vector<128x1xf32>
    %add3A = vector.broadcast %get3A_8 : vector<128x1xf32> to vector<128x4096xf32>
    %add3A_9 = arith.addf %mul3A_5, %add3A : vector<128x4096xf32>
    %max3A = arith.constant 0.000000e+00 : f32
    %max3A_10 = vector.broadcast %max3A : f32 to vector<128x4096xf32>
    %max3A_11 = arith.maximumf %add3A_9, %max3A_10 : vector<128x4096xf32>
    %swap3A = arith.constant 0 : index
    %swap3A_12 = arith.constant 0 : index
    %swap3A_13 = vector.load %arg4[%swap3A, %swap3A_12] : memref<128x4096xf32, #tpu.memory_space<vmem>>, vector<128x4096xf32>
    tpu.vector_store %arg4[%swap3A, %swap3A_12], %max3A_11 {strides = array<i32>} : memref<128x4096xf32, #tpu.memory_space<vmem>>, vector<128x4096xf32>,
    return
  }
  func.func @transform_0(%arg0: i32) -> (i32, i32) {
    %c0_i32 = arith.constant 0 : i32
    %c0_i32_0 = arith.constant 0 : i32
    return %c0_i32, %arg0 : i32, i32
  }
  func.func @transform_1(%arg0: i32) -> (i32, i32) {
    %c0_i32 = arith.constant 0 : i32
    %c0_i32_0 = arith.constant 0 : i32
    %c0_i32_1 = arith.constant 0 : i32
    return %c0_i32, %c0_i32_0 : i32, i32
  }
  func.func @transform_2(%arg0: i32) -> (i32, i32) {
    %c0_i32 = arith.constant 0 : i32
    %c0_i32_0 = arith.constant 0 : i32
    %c0_i32_1 = arith.constant 0 : i32
    return %c0_i32, %c0_i32_0 : i32, i32
  }
  func.func @transform_3(%arg0: i32) -> (i32, i32) {
    %c0_i32 = arith.constant 0 : i32
    %c0_i32_0 = arith.constant 0 : i32
    return %c0_i32, %arg0 : i32, i32
  }
}

</mosaic_0001>

<sc_bundles>
// kernel: gather_offload_async_start.1
scs
__scs_entry_jumppad:
0x0: {  	(pc) =	sbr.rel $0x88, $3  }
0x1: {  	(tag) =	ssettag $0x0;
	lr =	simm.s32 $0x1  }
0x2: {  	[smem:$0x3F7B] =	sst lr;
	_ =	strace $0xD0000000  }
0x3: {  	_ = 	snop  }
0x4: {  	_ = 	snop  }
0x5: {  	_ = 	snop  }
0x6: {  	_ = 	snop  }
0x7: {  	_ = 	snop  }
__scs_overlays_trampoline_lowered:
0x8: {  	[smem:$0x3F8A] =	sst s0  }
0x9: {  	[smem:$0x3F8B] =	sst s1  }
0xa: {  	[smem:$0x3F8C] =	sst s2  }
0xb: {  	[smem:$0x3F8D] =	sst s3  }
0xc: {  	[smem:$0x3F8E] =	sst s4  }
0xd: {  	[smem:$0x3F8F] =	sst s5  }
0xe: {  	[smem:$0x3F90] =	sst s6  }
0xf: {  	[smem:$0x3F91] =	sst s7  }
0x10: {  	[smem:$0x3F92] =	sst s8  }
0x11: {  	[smem:$0x3F93] =	sst s9;
	s0 =	simm.s32 @!p0 $0x0  }
0x12: {  	s1 =	sld [smem:$0x3F79];
	s0 =	simm.s32 @p0 $0x1  }
0x13: {  	[smem:$0x3F94] =	sst s0;
	s0 =	simm.s32 @!p1 $0x0  }
0x14: {  	s2 =	sld [smem:$0x3F78];
	s0 =	simm.s32 @p1 $0x1  }
0x15: {  	[smem:$0x3F95] =	sst s0;
	s0 =	simm.s32 @!p2 $0x0  }
0x16: {  	s3 =	sld [smem:$0x3FDB];
	s0 =	simm.s32 @p2 $0x1  }
0x17: {  	s4 =	simm.s32 $0x1BF5;
	[smem:$0x3F97] =	sst s0  }
0x18: {  	s0 =	sld [smem:$0x3F7A];
	_ =	swait.ge [sflag:s4], $0x0  }
0x19: {  	s7 =	sld [smem:$0x3F7B]  }
0x1a: {  	s8 =	sadd.s32 $0xFFFFE003, lr  }
0x1b: {  	s9 =	sadd.s32 $0xFFFFFEF7, lr;
	s5 =	simm.s32 $0xFFFFFFFF;
	p2 =	slt.u32 s8, $0xFFFFF086  }
0x1c: {  	p1 =	slt.u32 s9, $0xF7A;
	s5 =	simm.s32 @!p2 $0x0  }
0x1d: {  	s5 =	simm.s32 @p1 $0x1;
	p0 =	seq.s32 s7, s2  }
0x1e: {  	s7 =	smul.u32 @!p0 $0xF7A, s2;
	p2 =	seq.s32 @!p0 s5, $0x0  }
0x1f: {  	s9 =	smul.u32 $0xF7A, s1;
	s8 =	simm.s32 @!p0 $0x1BF5;
	p2 =	por !p2, p0  }
0x20: {  	[sflag:s8] =	ssyncset.s32 @!p0 $0xFFFFF086;
	s6 =	sadd.s32 @!p0 s3, s7;
	s7 =	simm.s32 @!p0 $0x108  }
0x21: {  	s3 =	sadd.s32 s3, s9;
	s6 =	sadd.s32 @!p0 $0x88, s6;
	s7 =	simm.s32 @p2 $0x1082  }
0x22: {  	[simem:s7], [sflag:s8] =	dma.local @!p0 [hbm:s6], $0xF7A  }
0x23: {  	s9 =	sor.u32 $0xD0000000, s2;
	s6 =	simm.s32 $0x108;
	_ =	swait.ge @!p0 [sflag:s8], $0x0  }
0x24: {  	s3 =	sadd.s32 $0x88, s3;
	s6 =	simm.s32 @!p1 $0x1082;
	[sflag:s4] =	ssyncset.s32 $0xFFFFF086  }
0x25: {  	[simem:s6], [sflag:s4] =	dma.local [hbm:s3], $0xF7A  }
0x26: {  	[smem:$0x3F7B] =	sst s1;
	(tag) =	ssettag s2;
	_ =	strace s9  }
0x27: {  	s1 =	sld [smem:$0x3F8B]  }
0x28: {  	s2 =	sld [smem:$0x3F8C]  }
0x29: {  	s4 =	sld [smem:$0x3F8E]  }
0x2a: {  	p0 =	seq.s32 s5, $0x0;
	s5 =	sld [smem:$0x3F8F]  }
0x2b: {  	s6 =	sld [smem:$0x3F90]  }
0x2c: {  	s7 =	sld [smem:$0x3F91]  }
0x2d: {  	s3 =	simm.s32 $0x108;
	s8 =	sld [smem:$0x3F92]  }
0x2e: {  	s3 =	simm.s32 @!p0 $0x1082;
	s9 =	sld [smem:$0x3F93]  }
0x2f: {  	lr =	sadd.s32 s0, s3;
	s0 =	sld [smem:$0x3F8A]  }
0x30: {  	s3 =	sld [smem:$0x3F8D]  }
0x31: {  	[smem:$0x3F96] =	sst s10  }
0x32: {  	s10 =	sld [smem:$0x3F94];
	_ =	sdelay $0x3  }
0x33: {  	p0 =	seq.s32 s10, $0x1;
	s10 =	sld [smem:$0x3F96];
	_ =	sdelay $0x3  }
0x34: {  	[smem:$0x3F96] =	sst s10  }
0x35: {  	s10 =	sld [smem:$0x3F95];
	_ =	sdelay $0x3  }
0x36: {  	p1 =	seq.s32 s10, $0x1;
	s10 =	sld [smem:$0x3F96];
	_ =	sdelay $0x3  }
0x37: {  	[smem:$0x3F96] =	sst s10  }
0x38: {  	s10 =	sld [smem:$0x3F97]  }
0x39: {  	_ = 	snop;
	(pc) =	sbr.ind lr, $3  }
0x3a: {  	_ = 	snop  }
0x3b: {  	_ = 	snop  }
0x3c: {  	p2 =	seq.s32 s10, $0x1;
	s10 =	sld [smem:$0x3F96]  }
0x3d: {  	_ =	shalt  }
0x3e: {  	_ =	shalt  }
0x3f: {  	_ =	shalt  }
0x40: {  	_ =	shalt  }
0x41: {  	_ =	shalt  }
0x42: {  	_ =	shalt  }
0x43: {  	_ =	shalt  }
0x44: {  	_ =	shalt  }
0x45: {  	_ =	shalt  }
0x46: {  	_ =	shalt  }
0x47: {  	_ =	shalt  }
0x48: {  	_ =	shalt  }
0x49: {  	_ =	shalt  }
0x4a: {  	_ =	shalt  }
0x4b: {  	_ =	shalt  }
0x4c: {  	_ =	shalt  }
0x4d: {  	_ =	shalt  }
0x4e: {  	_ =	shalt  }
0x4f: {  	_ =	shalt  }
0x50: {  	_ =	shalt  }
0x51: {  	_ =	shalt  }
0x52: {  	_ =	shalt  }
0x53: {  	_ =	shalt  }
0x54: {  	_ =	shalt  }
0x55: {  	_ =	shalt  }
0x56: {  	_ =	shalt  }
0x57: {  	_ =	shalt  }
0x58: {  	_ =	shalt  }
0x59: {  	_ =	shalt  }
0x5a: {  	_ =	shalt  }
0x5b: {  	_ =	shalt  }
0x5c: {  	_ =	shalt  }
0x5d: {  	_ =	shalt  }
0x5e: {  	_ =	shalt  }
0x5f: {  	_ =	shalt  }
0x60: {  	_ =	shalt  }
0x61: {  	_ =	shalt  }
0x62: {  	_ =	shalt  }
0x63: {  	_ =	shalt  }
0x64: {  	_ =	shalt  }
0x65: {  	_ =	shalt  }
0x66: {  	_ =	shalt  }
0x67: {  	_ =	shalt  }
0x68: {  	_ =	shalt  }
0x69: {  	_ =	shalt  }
0x6a: {  	_ =	shalt  }
0x6b: {  	_ =	shalt  }
0x6c: {  	_ =	shalt  }
0x6d: {  	_ =	shalt  }
0x6e: {  	_ =	shalt  }
0x6f: {  	_ =	shalt  }
0x70: {  	_ =	shalt  }
0x71: {  	_ =	shalt  }
0x72: {  	_ =	shalt  }
0x73: {  	_ =	shalt  }
0x74: {  	_ =	shalt  }
0x75: {  	_ =	shalt  }
0x76: {  	_ =	shalt  }
0x77: {  	_ =	shalt  }
0x78: {  	_ =	shalt  }
0x79: {  	_ =	shalt  }
0x7a: {  	_ =	shalt  }
0x7b: {  	_ =	shalt  }
0x7c: {  	_ =	shalt  }
0x7d: {  	_ =	shalt  }
0x7e: {  	_ =	shalt  }
0x7f: {  	_ =	shalt  }
0x80: {  	_ =	shalt  }
0x81: {  	_ =	shalt  }
0x82: {  	_ =	shalt  }
0x83: {  	_ =	shalt  }
0x84: {  	_ =	shalt  }
0x85: {  	_ =	shalt  }
0x86: {  	_ =	shalt  }
0x87: {  	_ =	shalt  }
.Lfunc_end0:
.L_simem_size_0:
called_computation.3_lowered:
.L_overlay_start_0:
0x88: {  	s2 =	sld [smem:$0x3FD9]  }
0x89: {  	s3 =	sld [smem:$0x3FFE];
	_ =	sdelay $0x1  }
0x8a: {  	s1 =	srdreg.scid  }
0x8b: {  	s0 =	sand.u32 $0x1, s1  }
0x8c: {  	s17 =	sshll.u32 s0, $0xA;
	s2 =	sadd.s32 s3, s2  }
0x8d: {  	s2 =	sadd.s32 s2, s17  }
0x8e: {  	[smem:$0x3FA2] =	sst s2  }
0x8f: {  	_ = 	snop  }
0x90: {  	(tm) =	ssettm $0x1  }
0x91: {  	s18 =	sld [smem:$0x3FFB];
	_ =	sdelay $0x3  }
0x92: {  	_ =	strace s18  }
0x93: {  	s2 =	sld [smem:$0x3FFC];
	_ =	sdelay $0x3  }
0x94: {  	_ =	strace s2  }
0x95: {  	s2 =	sld [smem:$0x3FFD];
	_ =	sdelay $0x3  }
0x96: {  	_ =	strace s2  }
0x97: {  	_ =	strace $0x8FFFFFFF  }
0x98: {  	s19 =	sld [smem:$0x3FDB];
	_ =	sdelay $0x1  }
0x99: {  	s20 =	simm.s32 $_scs_section_size  }
0x9a: {  	s4 =	simm.s32 $_size__tile_overlayer_lowered;
	s5 =	simm.s32 $_tile_overlayer_lowered  }
0x9b: {  	s6 =	simm.s32 $0x1BFF;
	s21 =	sshll.u32 s5, $0x1;
	s3 =	sadd.s32 s20, s19  }
0x9c: {  	s22 =	simm.s32 $0x0;
	s4 =	sshll.u32 s4, $0x1;
	s5 =	sadd.s32 s21, s3  }
0x9d: {  	[timem:s22], [sflag:s6] =	dma.local [hbm:s5], s4  }
0x9e: {  	_ =	swait.ge [sflag:s6], s4  }
0x9f: {  	s4 =	ssub.s32 $0x0, s4;
	[sflag:s6] =	ssyncset.done $0x0  }
0xa0: {  	[sflag:s6] =	ssyncadd.s32 s4;
	_ =	sdelay $0x1  }
0xa1: {  	s23 =	simm.s32 $0x1B8B  }
0xa2: {  	_ =	swait.ge [sflag:s23], $0x1  }
0xa3: {  	[sflag:s23] =	ssyncset.done $0x0  }
0xa4: {  	[sflag:s23] =	ssyncadd.s32 $0xFFFFFFFF  }
0xa5: {  	s4 =	sld [smem:$0x0]  }
0xa6: {  	s5 =	sand.u32 $0xFFFFFFFE, s1  }
0xa7: {  	p0 =	sne.s32 s1, s5  }
0xa8: {  	s5 =	sshll.u32 @p0 s5, $0xE  }
0xa9: {  	s5 =	sadd.s32 @p0 $0x11B8D, s5;
	s6 =	sshll.u32 @p0 s4, $0x11  }
0xaa: {  	s5 =	sor.u32 @p0 s6, s5  }
0xab: {  	[sflag:s5] =	ssyncadd.remote.s32 @p0 $0x1;
	_ =	sdelay $0x1  }
0xac: {  	s5 =	simm.s32 @p0 $0x1B8D  }
0xad: {  	_ =	swait.eq @p0 [sflag:s5], $0x1  }
0xae: {  	[sflag:s5] =	ssyncadd.s32 @p0 $0xFFFFFFFF  }
0xaf: {  	s6 =	sshll.u32 @!p0 s1, $0xE  }
0xb0: {  	s6 =	sor.u32 @!p0 $0x4000, s6;
	s5 =	simm.s32 @!p0 $0x1B8D  }
0xb1: {  	s4 =	sshll.u32 @!p0 s4, $0x11;
	s6 =	sadd.s32 @!p0 $0x11B8D, s6;
	_ =	swait.eq @!p0 [sflag:s5], $0x1  }
0xb2: {  	s4 =	sor.u32 @!p0 s4, s6;
	[sflag:s5] =	ssyncadd.s32 @!p0 $0xFFFFFFFF  }
0xb3: {  	s25 =	simm.s32 $0x1B8E;
	s24 =	sld [smem:$0x3FFE];
	[sflag:s4] =	ssyncadd.remote.s32 @!p0 $0x1  }
0xb4: {  	s26 =	simm.s32 $execute0_lowered;
	[smem:$0x3FD2] =	sst s25  }
0xb5: {  	s5 =	sshll.u32 s26, $0x1;
	_ =	strace $0x8000004F;
	[dreg:$0x1] =	wrdreg $0xFFFFFFFF  }
0xb6: {  	s28 =	simm.s32 $_size_execute0_lowered;
	s3 =	sadd.s32 s3, s5;
	[dreg:$0x0] =	wrdreg $0x0  }
0xb7: {  	s5 =	sshll.u32 s28, $0x1;
	[dreg:$0x2] =	wrdreg s3  }
0xb8: {  	[dreg:$0x3] =	wrdreg s5  }
0xb9: {  	[dreg:$0x4] =	wrdreg $0xC0  }
0xba: {  	_ =	task [dreg:s22], $0x5FFFF  }
0xbb: {  	[dreg:$0x1] =	wrdreg $0xFFFFFFFF  }
0xbc: {  	[dreg:$0x0] =	wrdreg $0x60  }
0xbd: {  	[dreg:$0x2] =	wrdreg s24  }
0xbe: {  	[dreg:$0x3] =	wrdreg $0x9  }
0xbf: {  	_ =	task.clear_ibuf [dreg:s22], $0x4FFFF;
	_ =	strace $0x9000004F  }
0xc0: {  	s29 =	simm.s32 $0x9;
	_ =	strace $0x80000051  }
0xc1: {  	_ =	swait.ge [sflag:s29], $0x1  }
0xc2: {  	[sflag:s29] =	ssyncadd.s32 $0xFFFFFFFF  }
0xc3: {  	_ =	strace $0x90000051  }
0xc4: {  	_ =	sfence  }
0xc5: {  	s30 =	sld [smem:$0x0];
	_ =	sdelay $0x2  }
0xc6: {  	s31 =	sshll.u32 s1, $0xD;
	s1 =	sshrl.u32 s1, $0x2  }
0xc7: {  	s4 =	sand.u32 $0x4000, s31;
	s1 =	sadd.s32 s1, s30  }
0xc8: {  	s0 =	sor.u32 s4, s0;
	s1 =	sshll.u32 s1, $0x11  }
0xc9: {  	s0 =	sor.u32 s1, s0  }
0xca: {  	s0 =	sadd.s32 $0x8F2B, s0  }
0xcb: {  	[sflag:s0] =	ssyncadd.remote.s32 $0x1  }
0xcc: {  	_ =	sfence.sel $0xFFFF  }
0xcd: {  	[dreg:$0x0] =	wrdreg $0xFFFFFFFF;
	(pc) =	sbr.abs _section_cstart, $3  }
0xce: {  	[dreg:$0x1] =	wrdreg $0xFFFFFFFF  }
0xcf: {  	_ =	task.clear_ibuf [dreg:s22], $0x2FFFF;
	_ =	strace $0x9FFFFFFF  }
0xd0: {  	(tm) =	ssettm $0x7FFFFFFF  }
0xd1: {  	_ =	shalt  }
tec
execute0_lowered:
.L_overlay_start_1:
0x0: {  	(tag) =	ssettag $0x1  }
0x1: {  	s7 =	rddreg [dreg:$0x0]  }
0x2: {  	s0 =	rddreg [dreg:$0x1];
	_ =	strace $0x80000050  }
0x3: {  	s1 =	srdreg.scid;
	s4 =	simm.s32 $0x1;
	s9 =	simm.s32 $0x3  }
0x4: {  	s11 =	simm.s32 $0x0;
	p0 =	por $0x0, $0x0;
	s5 =	sshll.u32 s1, $0x4  }
.Ltmp0:
0x5: {  	s1 =	stileid.u32;
	s5 =	sand.u32 $0x10, s5;
	(pc) =	sbr.rel .LBB2_1-.Ltmp0, $4  }
0x6: {  	s2 =	sadd.s32 $0x8D600, s7;
	s3 =	sadd.s32 $0x85600, s7;
	s6 =	sor.u32 s1, s5  }
0x7: {  	[sflag:s4] =	ssyncpa.u1 $0x0;
	s5 =	simm.s32 $0x2;
	s6 =	sshll.u32 s6, $0xA  }
0x8: {  	s7 =	sadd.s32 $0x1AA200, s7;
	[sflag:s5] =	ssyncpa.u1 $0x0;
	s8 =	sadd.s32 $0x400, s6  }
0x9: {  	vm0 =	vmmov $0xff;
	vm1 =	vcmask $0x3F20;
	[sflag:s9] =	ssyncpa.u1 $0x0;
	s10 =	smov.u32 s6;
	s9 =	simm.s32 $0x0  }
.LBB2_7:
0xa: {  	p1 =	slt.u32 s9, $0x2;
	s11 =	sadd.s32 $0x100, s10  }
0xb: {  	s13 =	smov.u32 s6;
	s9 =	sadd.s32 $0x1, s9;
	p2 =	slt.s32 s11, s8  }
0xc: {  	s13 =	smov.u32 @p2 s11;
	p2 =	sne.s32 s9, $0x6  }
.Ltmp1:
0xd: {  	_ = 	snop;
	(pc) =	sbr.rel @!p2 .LBB2_8-.Ltmp1, $4  }
0xe: {  	s12 =	simm.s32 @!p1 $0x3  }
0xf: {  	_ =	swait.ge @!p1 [sflag:s12], $0x8000  }
0x10: {  	p0 =	por !p0, !p0;
	[sflag:s12] =	ssyncset.done @!p1 $0x0  }
0x11: {  	s11 =	smov.u32 s10;
	s10 =	smov.u32 s13;
	[sflag:s12] =	ssyncadd.s32 @!p1 $0xFFFF8000  }
.LBB2_1:
0x12: {  	p1 =	sgt.u32 s9, $0x3  }
0x13: {  	s12 =	sxor.u32 @!p1 $0xFFFFFFFF, s9  }
0x14: {  	s13 =	sshrl.u32 @!p1 s10, $0x3;
	s12 =	sshll.u32 @!p1 s12, $0x8  }
0x15: {  	s14 =	sand.u32 @!p1 $0x7, s10;
	s13 =	sadd.s32 @!p1 s3, s13;
	s12 =	sand.u32 @!p1 $0x100, s12  }
0x16: {  	[tilespmem:s12], [sflag:$0x2] =	stream.linear.gather @!p1 [hbm4b:s13+s14], $0x100, $0x38;
	[tilespmem:$0x10200] =	vst v63  }
0x17: {  	p1 =	seq.s32 s9, $0x0  }
0x18: {  	p2 =	seq.s32 @!p1 s9, $0x5  }
0x19: {  	p1 =	por p1, p2  }
.Ltmp2:
0x1a: {  	_ = 	snop;
	(pc) =	sbr.rel @p1 .LBB2_7-.Ltmp2, $1  }
0x1b: {  	_ =	sdelay $0x3  }
0x1c: {  	s12 =	simm.s32 $0x1  }
0x1d: {  	_ =	swait.ge [sflag:s5], $0x100;
	s12 =	simm.s32 @!p0 $0x0  }
0x1e: {  	[sflag:s5] =	ssyncset.done $0x0;
	s14 =	sshll.u32 s12, $0x8  }
0x1f: {  	[sflag:s5] =	ssyncadd.s32 $0xFFFFFF00;
	s13 =	sadd.s32 $0x0, s14  }
0x20: {  	v0 =	vld.msk [tilespmem:s13+$0x0 ss:$0x1], $0xffff;
	_ =	sdelay $0x4  }
0x21: {  	v1 =	vshll.u32 v0, $0x5  }
0x22: {  	vm2 =	veq.s32 v0, $0x80000000;
	v0 =	vshll.u32 v0, $0x14;
	v1 =	vand.u32 $0xFFF80, v1  }
0x23: {  	v0 =	vand.u32 $0x300000, v0;
	v1 =	vsel vm2, $0xFFFFFF80, v1  }
0x24: {  	v0 =	vsel vm2, $0xFFF00000, v0;
	v2 =	vand.u32 $0xFFFFFC00, v1  }
0x25: {  	v1 =	vand.u32 $0x380, v1;
	v0 =	vadd.s32 v0, v2  }
0x26: {  	v0 =	vor.u32 v1, v0  }
0x27: {  	v0 =	vshrl.u32 v0, $0x3;
	_ =	sdelay $0x2  }
0x28: {  	s12 =	sshll.u32 s12, $0xF  }
0x29: {  	s12 =	sor.u32 $0x200, s12  }
0x2a: {  	[tilespmem:s12], [sflag:$0x1] =	stream.indirect_vreg.gather [hbm:s2], $0x80, v0, vm0, $0x38;
	[tilespmem:$0x10200] =	vst v63  }
0x2b: {  	s15 =	sadd.s32 $0x10, s14;
	s13 =	sadd.s32 $0x400, s12  }
0x2c: {  	[tilespmem:s13], [sflag:$0x1] =	stream.indirect_vreg.gather [hbm:s2], $0x80, v0, vm1, $0x38;
	[tilespmem:$0x10200] =	vst v63  }
0x2d: {  	s16 =	simm.s32 $0x80;
	v0 =	vld.msk [tilespmem:s15+$0x0 ss:$0x1], $0xffff;
	s15 =	smov.u32 s12  }
.LBB2_3:
0x2e: {  	p1 =	sne.s32 s16, $0x3C0;
	_ =	sdelay $0x4  }
0x2f: {  	v1 =	vshll.u32 v0, $0x5  }
0x30: {  	vm2 =	veq.s32 v0, $0x80000000;
	v0 =	vshll.u32 v0, $0x14;
	v1 =	vand.u32 $0xFFF80, v1  }
0x31: {  	v0 =	vand.u32 $0x300000, v0;
	v1 =	vsel vm2, $0xFFFFFF80, v1  }
0x32: {  	v0 =	vsel vm2, $0xFFF00000, v0;
	v2 =	vand.u32 $0xFFFFFC00, v1  }
0x33: {  	v1 =	vand.u32 $0x380, v1;
	v0 =	vadd.s32 v0, v2  }
0x34: {  	v0 =	vor.u32 v1, v0  }
0x35: {  	v0 =	vshrl.u32 v0, $0x3;
	_ =	sdelay $0x3  }
.Ltmp3:
0x36: {  	s17 =	sshra.s32 s16, $0x2;
	s15 =	sadd.s32 $0x800, s15;
	(pc) =	sbr.rel @p1 .LBB2_3-.Ltmp3, $4  }
0x37: {  	[tilespmem:s15], [sflag:$0x1] =	stream.indirect_vreg.gather [hbm:s2], $0x80, v0, vm0, $0x38;
	[tilespmem:$0x10200] =	vst v63  }
0x38: {  	s17 =	sadd.s32 s17, s14;
	s18 =	sadd.s32 $0x400, s15  }
0x39: {  	[tilespmem:s18], [sflag:$0x1] =	stream.indirect_vreg.gather [hbm:s2], $0x80, v0, vm1, $0x38;
	[tilespmem:$0x10200] =	vst v63  }
0x3a: {  	s16 =	sadd.s32 $0x40, s16;
	v0 =	vld.msk [tilespmem:s17+$0x0 ss:$0x1], $0xffff  }
0x3b: {  	_ =	sdelay $0x3  }
0x3c: {  	v1 =	vshll.u32 v0, $0x5  }
0x3d: {  	vm2 =	veq.s32 v0, $0x80000000;
	v63 =	vshll.u32 v0, $0x14;
	v1 =	vand.u32 $0xFFF80, v1  }
0x3e: {  	v0 =	vand.u32 $0x300000, v63;
	v1 =	vsel vm2, $0xFFFFFF80, v1  }
0x3f: {  	v0 =	vsel vm2, $0xFFF00000, v0;
	v2 =	vand.u32 $0xFFFFFC00, v1  }
0x40: {  	v1 =	vand.u32 $0x380, v1;
	v0 =	vadd.s32 v0, v2  }
0x41: {  	v0 =	vor.u32 v1, v0  }
0x42: {  	v0 =	vshrl.u32 v0, $0x3;
	_ =	sdelay $0x3  }
0x43: {  	s14 =	sadd.s32 $0x800, s15  }
0x44: {  	[tilespmem:s14], [sflag:$0x1] =	stream.indirect_vreg.gather [hbm:s2], $0x80, v0, vm0, $0x38;
	[tilespmem:$0x10200] =	vst v63  }
0x45: {  	s14 =	sadd.s32 $0x400, s14  }
0x46: {  	[tilespmem:s14], [sflag:$0x1] =	stream.indirect_vreg.gather [hbm:s2], $0x80, v0, vm1, $0x38;
	[tilespmem:$0x10200] =	vst v63  }
0x47: {  	s11 =	sshll.u32 s11, $0x4;
	_ =	swait.ge [sflag:s4], $0x8000  }
0x48: {  	s11 =	sadd.s32 s11, s7;
	[sflag:s4] =	ssyncset.done $0x0  }
0x49: {  	s15 =	sadd.s32 $0x0, s11;
	s14 =	simm.s32 $0x80;
	[sflag:s4] =	ssyncadd.s32 $0xFFFF8000  }
.LBB2_5:
0x4a: {  	[hbm:s15] =	stream.linear.scatter [tilespmem:s12], [sflag:$0x3], $0x400, $0x38;
	[tilespmem:$0x10200] =	vst v63  }
0x4b: {  	s15 =	smov.u32 s14;
	s12 =	smov.u32 s13;
	p1 =	sne.s32 s14, $0xF80  }
.Ltmp4:
0x4c: {  	s14 =	sadd.s32 $0x80, s14;
	(pc) =	sbr.rel @p1 .LBB2_5-.Ltmp4, $2  }
0x4d: {  	_ =	sdelay $0x2  }
0x4e: {  	s13 =	sadd.s32 $0x400, s13;
	s15 =	sadd.s32 s15, s11  }
.Ltmp5:
0x4f: {  	(pc) =	sbr.rel .LBB2_7-.Ltmp5, $2  }
0x50: {  	_ =	sdelay $0x2  }
0x51: {  	[hbm:s15] =	stream.linear.scatter [tilespmem:s12], [sflag:$0x3], $0x400, $0x38;
	[tilespmem:$0x10200] =	vst v63  }
.LBB2_8:
0x52: {  	_ =	sfence.sel $0x180000  }
0x53: {  	s2 =	simm.s32 $0x2;
	[bflag:$0x0] =	sbarrier.arrive $0xFFFF  }
0x54: {  	s30 =	simm.s32 $0x3;
	[sflag:s2] =	ssyncpa.u1 $0x1  }
0x55: {  	s31 =	simm.s32 $0x1;
	[sflag:s30] =	ssyncpa.u1 $0x1  }
0x56: {  	[sflag:s31] =	ssyncpa.u1 $0x1  }
0x57: {  	p0 =	sne.s32 s1, $0x0;
	_ =	strace $0x90000050  }
0x58: {  	s0 =	sadd.s32 @!p0 $0x100000, s0;
	[bflag:$0x2] =	sbarrier.arrive $0xFFFF  }
0x59: {  	[sflag:s0] =	ssyncadd.tile.s32 @!p0 $0x1;
	_ =	shalt  }
.Lfunc_end2:
_tile_overlayer_lowered:
.L_overlay_start_2:
0x5a: {  	(tag) =	ssettag $0x2  }
0x5b: {  	s0 =	rddreg [dreg:$0x0];
	s2 =	stileid.u32  }
0x5c: {  	s1 =	rddreg [dreg:$0x1];
	p0 =	sne.s32 s2, $0x0  }
0x5d: {  	s3 =	rddreg [dreg:$0x2];
	[bflag:$0x3] =	sbarrier.arrive $0xFFFF;
	s2 =	simm.s32 @!p0 $0x1C01  }
0x5e: {  	[timem:s3], [sflag:s2] =	dma.local @!p0 [hbm:s0], s1  }
0x5f: {  	s0 =	simm.s32 @!p0 $0x1  }
0x60: {  	_ =	swait.ge @!p0 [sflag:s0], s1  }
0x61: {  	s1 =	ssub.s32 @!p0 $0x0, s1;
	[sflag:s0] =	ssyncset.done @!p0 $0x0  }
0x62: {  	[sflag:s0] =	ssyncadd.s32 @!p0 s1  }
0x63: {  	[bflag:$0x3] =	sbarrier.arrive $0xFFFF  }
0x64: {  	_ =	shalt  }

// kernel: gather_offload_async_start.2
scs
__scs_entry_jumppad:
0x0: {  	(pc) =	sbr.rel $0x88, $3  }
0x1: {  	(tag) =	ssettag $0x0;
	lr =	simm.s32 $0x1  }
0x2: {  	[smem:$0x3F7B] =	sst lr;
	_ =	strace $0xD0000000  }
0x3: {  	_ = 	snop  }
0x4: {  	_ = 	snop  }
0x5: {  	_ = 	snop  }
0x6: {  	_ = 	snop  }
0x7: {  	_ = 	snop  }
__scs_overlays_trampoline_lowered:
0x8: {  	[smem:$0x3F8A] =	sst s0  }
0x9: {  	[smem:$0x3F8B] =	sst s1  }
0xa: {  	[smem:$0x3F8C] =	sst s2  }
0xb: {  	[smem:$0x3F8D] =	sst s3  }
0xc: {  	[smem:$0x3F8E] =	sst s4  }
0xd: {  	[smem:$0x3F8F] =	sst s5  }
0xe: {  	[smem:$0x3F90] =	sst s6  }
0xf: {  	[smem:$0x3F91] =	sst s7  }
0x10: {  	[smem:$0x3F92] =	sst s8  }
0x11: {  	[smem:$0x3F93] =	sst s9;
	s0 =	simm.s32 @!p0 $0x0  }
0x12: {  	s1 =	sld [smem:$0x3F79];
	s0 =	simm.s32 @p0 $0x1  }
0x13: {  	[smem:$0x3F94] =	sst s0;
	s0 =	simm.s32 @!p1 $0x0  }
0x14: {  	s2 =	sld [smem:$0x3F78];
	s0 =	simm.s32 @p1 $0x1  }
0x15: {  	[smem:$0x3F95] =	sst s0;
	s0 =	simm.s32 @!p2 $0x0  }
0x16: {  	s3 =	sld [smem:$0x3FDB];
	s0 =	simm.s32 @p2 $0x1  }
0x17: {  	s4 =	simm.s32 $0x1BF5;
	[smem:$0x3F97] =	sst s0  }
0x18: {  	s0 =	sld [smem:$0x3F7A];
	_ =	swait.ge [sflag:s4], $0x0  }
0x19: {  	s7 =	sld [smem:$0x3F7B]  }
0x1a: {  	s8 =	sadd.s32 $0xFFFFE003, lr  }
0x1b: {  	s9 =	sadd.s32 $0xFFFFFEF7, lr;
	s5 =	simm.s32 $0xFFFFFFFF;
	p2 =	slt.u32 s8, $0xFFFFF086  }
0x1c: {  	p1 =	slt.u32 s9, $0xF7A;
	s5 =	simm.s32 @!p2 $0x0  }
0x1d: {  	s5 =	simm.s32 @p1 $0x1;
	p0 =	seq.s32 s7, s2  }
0x1e: {  	s7 =	smul.u32 @!p0 $0xF7A, s2;
	p2 =	seq.s32 @!p0 s5, $0x0  }
0x1f: {  	s9 =	smul.u32 $0xF7A, s1;
	s8 =	simm.s32 @!p0 $0x1BF5;
	p2 =	por !p2, p0  }
0x20: {  	[sflag:s8] =	ssyncset.s32 @!p0 $0xFFFFF086;
	s6 =	sadd.s32 @!p0 s3, s7;
	s7 =	simm.s32 @!p0 $0x108  }
0x21: {  	s3 =	sadd.s32 s3, s9;
	s6 =	sadd.s32 @!p0 $0x88, s6;
	s7 =	simm.s32 @p2 $0x1082  }
0x22: {  	[simem:s7], [sflag:s8] =	dma.local @!p0 [hbm:s6], $0xF7A  }
0x23: {  	s9 =	sor.u32 $0xD0000000, s2;
	s6 =	simm.s32 $0x108;
	_ =	swait.ge @!p0 [sflag:s8], $0x0  }
0x24: {  	s3 =	sadd.s32 $0x88, s3;
	s6 =	simm.s32 @!p1 $0x1082;
	[sflag:s4] =	ssyncset.s32 $0xFFFFF086  }
0x25: {  	[simem:s6], [sflag:s4] =	dma.local [hbm:s3], $0xF7A  }
0x26: {  	[smem:$0x3F7B] =	sst s1;
	(tag) =	ssettag s2;
	_ =	strace s9  }
0x27: {  	s1 =	sld [smem:$0x3F8B]  }
0x28: {  	s2 =	sld [smem:$0x3F8C]  }
0x29: {  	s4 =	sld [smem:$0x3F8E]  }
0x2a: {  	p0 =	seq.s32 s5, $0x0;
	s5 =	sld [smem:$0x3F8F]  }
0x2b: {  	s6 =	sld [smem:$0x3F90]  }
0x2c: {  	s7 =	sld [smem:$0x3F91]  }
0x2d: {  	s3 =	simm.s32 $0x108;
	s8 =	sld [smem:$0x3F92]  }
0x2e: {  	s3 =	simm.s32 @!p0 $0x1082;
	s9 =	sld [smem:$0x3F93]  }
0x2f: {  	lr =	sadd.s32 s0, s3;
	s0 =	sld [smem:$0x3F8A]  }
0x30: {  	s3 =	sld [smem:$0x3F8D]  }
0x31: {  	[smem:$0x3F96] =	sst s10  }
0x32: {  	s10 =	sld [smem:$0x3F94];
	_ =	sdelay $0x3  }
0x33: {  	p0 =	seq.s32 s10, $0x1;
	s10 =	sld [smem:$0x3F96];
	_ =	sdelay $0x3  }
0x34: {  	[smem:$0x3F96] =	sst s10  }
0x35: {  	s10 =	sld [smem:$0x3F95];
	_ =	sdelay $0x3  }
0x36: {  	p1 =	seq.s32 s10, $0x1;
	s10 =	sld [smem:$0x3F96];
	_ =	sdelay $0x3  }
0x37: {  	[smem:$0x3F96] =	sst s10  }
0x38: {  	s10 =	sld [smem:$0x3F97]  }
0x39: {  	_ = 	snop;
	(pc) =	sbr.ind lr, $3  }
0x3a: {  	_ = 	snop  }
0x3b: {  	_ = 	snop  }
0x3c: {  	p2 =	seq.s32 s10, $0x1;
	s10 =	sld [smem:$0x3F96]  }
0x3d: {  	_ =	shalt  }
0x3e: {  	_ =	shalt  }
0x3f: {  	_ =	shalt  }
0x40: {  	_ =	shalt  }
0x41: {  	_ =	shalt  }
0x42: {  	_ =	shalt  }
0x43: {  	_ =	shalt  }
0x44: {  	_ =	shalt  }
0x45: {  	_ =	shalt  }
0x46: {  	_ =	shalt  }
0x47: {  	_ =	shalt  }
0x48: {  	_ =	shalt  }
0x49: {  	_ =	shalt  }
0x4a: {  	_ =	shalt  }
0x4b: {  	_ =	shalt  }
0x4c: {  	_ =	shalt  }
0x4d: {  	_ =	shalt  }
0x4e: {  	_ =	shalt  }
0x4f: {  	_ =	shalt  }
0x50: {  	_ =	shalt  }
0x51: {  	_ =	shalt  }
0x52: {  	_ =	shalt  }
0x53: {  	_ =	shalt  }
0x54: {  	_ =	shalt  }
0x55: {  	_ =	shalt  }
0x56: {  	_ =	shalt  }
0x57: {  	_ =	shalt  }
0x58: {  	_ =	shalt  }
0x59: {  	_ =	shalt  }
0x5a: {  	_ =	shalt  }
0x5b: {  	_ =	shalt  }
0x5c: {  	_ =	shalt  }
0x5d: {  	_ =	shalt  }
0x5e: {  	_ =	shalt  }
0x5f: {  	_ =	shalt  }
0x60: {  	_ =	shalt  }
0x61: {  	_ =	shalt  }
0x62: {  	_ =	shalt  }
0x63: {  	_ =	shalt  }
0x64: {  	_ =	shalt  }
0x65: {  	_ =	shalt  }
0x66: {  	_ =	shalt  }
0x67: {  	_ =	shalt  }
0x68: {  	_ =	shalt  }
0x69: {  	_ =	shalt  }
0x6a: {  	_ =	shalt  }
0x6b: {  	_ =	shalt  }
0x6c: {  	_ =	shalt  }
0x6d: {  	_ =	shalt  }
0x6e: {  	_ =	shalt  }
0x6f: {  	_ =	shalt  }
0x70: {  	_ =	shalt  }
0x71: {  	_ =	shalt  }
0x72: {  	_ =	shalt  }
0x73: {  	_ =	shalt  }
0x74: {  	_ =	shalt  }
0x75: {  	_ =	shalt  }
0x76: {  	_ =	shalt  }
0x77: {  	_ =	shalt  }
0x78: {  	_ =	shalt  }
0x79: {  	_ =	shalt  }
0x7a: {  	_ =	shalt  }
0x7b: {  	_ =	shalt  }
0x7c: {  	_ =	shalt  }
0x7d: {  	_ =	shalt  }
0x7e: {  	_ =	shalt  }
0x7f: {  	_ =	shalt  }
0x80: {  	_ =	shalt  }
0x81: {  	_ =	shalt  }
0x82: {  	_ =	shalt  }
0x83: {  	_ =	shalt  }
0x84: {  	_ =	shalt  }
0x85: {  	_ =	shalt  }
0x86: {  	_ =	shalt  }
0x87: {  	_ =	shalt  }
.Lfunc_end0:
.L_simem_size_0:
called_computation.4_lowered:
.L_overlay_start_0:
0x88: {  	s2 =	sld [smem:$0x3FD9]  }
0x89: {  	s3 =	sld [smem:$0x3FFE];
	_ =	sdelay $0x1  }
0x8a: {  	s1 =	srdreg.scid  }
0x8b: {  	s0 =	sand.u32 $0x1, s1  }
0x8c: {  	s17 =	sshll.u32 s0, $0xA;
	s2 =	sadd.s32 s3, s2  }
0x8d: {  	s2 =	sadd.s32 s2, s17  }
0x8e: {  	[smem:$0x3FA2] =	sst s2  }
0x8f: {  	_ = 	snop  }
0x90: {  	(tm) =	ssettm $0x1  }
0x91: {  	s18 =	sld [smem:$0x3FFB];
	_ =	sdelay $0x3  }
0x92: {  	_ =	strace s18  }
0x93: {  	s2 =	sld [smem:$0x3FFC];
	_ =	sdelay $0x3  }
0x94: {  	_ =	strace s2  }
0x95: {  	s2 =	sld [smem:$0x3FFD];
	_ =	sdelay $0x3  }
0x96: {  	_ =	strace s2  }
0x97: {  	_ =	strace $0x8FFFFFFF  }
0x98: {  	s19 =	sld [smem:$0x3FDB];
	_ =	sdelay $0x1  }
0x99: {  	s20 =	simm.s32 $_scs_section_size  }
0x9a: {  	s4 =	simm.s32 $_size__tile_overlayer_lowered;
	s5 =	simm.s32 $_tile_overlayer_lowered  }
0x9b: {  	s6 =	simm.s32 $0x1BFF;
	s21 =	sshll.u32 s5, $0x1;
	s3 =	sadd.s32 s20, s19  }
0x9c: {  	s22 =	simm.s32 $0x0;
	s4 =	sshll.u32 s4, $0x1;
	s5 =	sadd.s32 s21, s3  }
0x9d: {  	[timem:s22], [sflag:s6] =	dma.local [hbm:s5], s4  }
0x9e: {  	_ =	swait.ge [sflag:s6], s4  }
0x9f: {  	s4 =	ssub.s32 $0x0, s4;
	[sflag:s6] =	ssyncset.done $0x0  }
0xa0: {  	[sflag:s6] =	ssyncadd.s32 s4;
	_ =	sdelay $0x1  }
0xa1: {  	s23 =	simm.s32 $0x1B8B  }
0xa2: {  	_ =	swait.ge [sflag:s23], $0x1  }
0xa3: {  	[sflag:s23] =	ssyncset.done $0x0  }
0xa4: {  	[sflag:s23] =	ssyncadd.s32 $0xFFFFFFFF  }
0xa5: {  	s4 =	sld [smem:$0x0]  }
0xa6: {  	s5 =	sand.u32 $0xFFFFFFFE, s1  }
0xa7: {  	p0 =	sne.s32 s1, s5  }
0xa8: {  	s5 =	sshll.u32 @p0 s5, $0xE  }
0xa9: {  	s5 =	sadd.s32 @p0 $0x11B8D, s5;
	s6 =	sshll.u32 @p0 s4, $0x11  }
0xaa: {  	s5 =	sor.u32 @p0 s6, s5  }
0xab: {  	[sflag:s5] =	ssyncadd.remote.s32 @p0 $0x1;
	_ =	sdelay $0x1  }
0xac: {  	s5 =	simm.s32 @p0 $0x1B8D  }
0xad: {  	_ =	swait.eq @p0 [sflag:s5], $0x1  }
0xae: {  	[sflag:s5] =	ssyncadd.s32 @p0 $0xFFFFFFFF  }
0xaf: {  	s6 =	sshll.u32 @!p0 s1, $0xE  }
0xb0: {  	s6 =	sor.u32 @!p0 $0x4000, s6;
	s5 =	simm.s32 @!p0 $0x1B8D  }
0xb1: {  	s4 =	sshll.u32 @!p0 s4, $0x11;
	s6 =	sadd.s32 @!p0 $0x11B8D, s6;
	_ =	swait.eq @!p0 [sflag:s5], $0x1  }
0xb2: {  	s4 =	sor.u32 @!p0 s4, s6;
	[sflag:s5] =	ssyncadd.s32 @!p0 $0xFFFFFFFF  }
0xb3: {  	s25 =	simm.s32 $0x1B8E;
	s24 =	sld [smem:$0x3FFE];
	[sflag:s4] =	ssyncadd.remote.s32 @!p0 $0x1  }
0xb4: {  	s26 =	simm.s32 $execute0_lowered;
	[smem:$0x3FD2] =	sst s25  }
0xb5: {  	s5 =	sshll.u32 s26, $0x1;
	_ =	strace $0x8000004C;
	[dreg:$0x1] =	wrdreg $0xFFFFFFFF  }
0xb6: {  	s28 =	simm.s32 $_size_execute0_lowered;
	s3 =	sadd.s32 s3, s5;
	[dreg:$0x0] =	wrdreg $0x0  }
0xb7: {  	s5 =	sshll.u32 s28, $0x1;
	[dreg:$0x2] =	wrdreg s3  }
0xb8: {  	[dreg:$0x3] =	wrdreg s5  }
0xb9: {  	[dreg:$0x4] =	wrdreg $0xC0  }
0xba: {  	_ =	task [dreg:s22], $0x5FFFF  }
0xbb: {  	[dreg:$0x1] =	wrdreg $0xFFFFFFFF  }
0xbc: {  	[dreg:$0x0] =	wrdreg $0x60  }
0xbd: {  	[dreg:$0x2] =	wrdreg s24  }
0xbe: {  	[dreg:$0x3] =	wrdreg $0xA  }
0xbf: {  	_ =	task.clear_ibuf [dreg:s22], $0x4FFFF;
	_ =	strace $0x9000004C  }
0xc0: {  	s29 =	simm.s32 $0xA;
	_ =	strace $0x8000004E  }
0xc1: {  	_ =	swait.ge [sflag:s29], $0x1  }
0xc2: {  	[sflag:s29] =	ssyncadd.s32 $0xFFFFFFFF  }
0xc3: {  	_ =	strace $0x9000004E  }
0xc4: {  	_ =	sfence  }
0xc5: {  	s30 =	sld [smem:$0x0];
	_ =	sdelay $0x2  }
0xc6: {  	s31 =	sshll.u32 s1, $0xD;
	s1 =	sshrl.u32 s1, $0x2  }
0xc7: {  	s4 =	sand.u32 $0x4000, s31;
	s1 =	sadd.s32 s1, s30  }
0xc8: {  	s0 =	sor.u32 s4, s0;
	s1 =	sshll.u32 s1, $0x11  }
0xc9: {  	s0 =	sor.u32 s1, s0  }
0xca: {  	s0 =	sadd.s32 $0x8F2B, s0  }
0xcb: {  	[sflag:s0] =	ssyncadd.remote.s32 $0x1  }
0xcc: {  	_ =	sfence.sel $0xFFFF  }
0xcd: {  	[dreg:$0x0] =	wrdreg $0xFFFFFFFF;
	(pc) =	sbr.abs _section_cstart, $3  }
0xce: {  	[dreg:$0x1] =	wrdreg $0xFFFFFFFF  }
0xcf: {  	_ =	task.clear_ibuf [dreg:s22], $0x2FFFF;
	_ =	strace $0x9FFFFFFF  }
0xd0: {  	(tm) =	ssettm $0x7FFFFFFF  }
0xd1: {  	_ =	shalt  }
tec
execute0_lowered:
.L_overlay_start_1:
0x0: {  	(tag) =	ssettag $0x1  }
0x1: {  	s7 =	rddreg [dreg:$0x0]  }
0x2: {  	s0 =	rddreg [dreg:$0x1];
	_ =	strace $0x8000004D  }
0x3: {  	s1 =	srdreg.scid;
	s4 =	simm.s32 $0x1;
	s9 =	simm.s32 $0x3  }
0x4: {  	s11 =	simm.s32 $0x0;
	p0 =	por $0x0, $0x0;
	s5 =	sshll.u32 s1, $0x4  }
.Ltmp0:
0x5: {  	s1 =	stileid.u32;
	s5 =	sand.u32 $0x10, s5;
	(pc) =	sbr.rel .LBB2_1-.Ltmp0, $4  }
0x6: {  	s2 =	sadd.s32 $0x5600, s7;
	s3 =	sadd.s32 $0x85600, s7;
	s6 =	sor.u32 s1, s5  }
0x7: {  	[sflag:s4] =	ssyncpa.u1 $0x0;
	s5 =	simm.s32 $0x2;
	s6 =	sshll.u32 s6, $0xA  }
0x8: {  	s7 =	sadd.s32 $0x12A200, s7;
	[sflag:s5] =	ssyncpa.u1 $0x0;
	s8 =	sadd.s32 $0x400, s6  }
0x9: {  	vm0 =	vmmov $0xff;
	vm1 =	vcmask $0x3F20;
	[sflag:s9] =	ssyncpa.u1 $0x0;
	s10 =	smov.u32 s6;
	s9 =	simm.s32 $0x0  }
.LBB2_7:
0xa: {  	p1 =	slt.u32 s9, $0x2;
	s11 =	sadd.s32 $0x100, s10  }
0xb: {  	s13 =	smov.u32 s6;
	s9 =	sadd.s32 $0x1, s9;
	p2 =	slt.s32 s11, s8  }
0xc: {  	s13 =	smov.u32 @p2 s11;
	p2 =	sne.s32 s9, $0x6  }
.Ltmp1:
0xd: {  	_ = 	snop;
	(pc) =	sbr.rel @!p2 .LBB2_8-.Ltmp1, $4  }
0xe: {  	s12 =	simm.s32 @!p1 $0x3  }
0xf: {  	_ =	swait.ge @!p1 [sflag:s12], $0x8000  }
0x10: {  	p0 =	por !p0, !p0;
	[sflag:s12] =	ssyncset.done @!p1 $0x0  }
0x11: {  	s11 =	smov.u32 s10;
	s10 =	smov.u32 s13;
	[sflag:s12] =	ssyncadd.s32 @!p1 $0xFFFF8000  }
.LBB2_1:
0x12: {  	p1 =	sgt.u32 s9, $0x3  }
0x13: {  	s12 =	sxor.u32 @!p1 $0xFFFFFFFF, s9  }
0x14: {  	s13 =	sshrl.u32 @!p1 s10, $0x3;
	s12 =	sshll.u32 @!p1 s12, $0x8  }
0x15: {  	s14 =	sand.u32 @!p1 $0x7, s10;
	s13 =	sadd.s32 @!p1 s3, s13;
	s12 =	sand.u32 @!p1 $0x100, s12  }
0x16: {  	[tilespmem:s12], [sflag:$0x2] =	stream.linear.gather @!p1 [hbm4b:s13+s14], $0x100, $0x38;
	[tilespmem:$0x10200] =	vst v63  }
0x17: {  	p1 =	seq.s32 s9, $0x0  }
0x18: {  	p2 =	seq.s32 @!p1 s9, $0x5  }
0x19: {  	p1 =	por p1, p2  }
.Ltmp2:
0x1a: {  	_ = 	snop;
	(pc) =	sbr.rel @p1 .LBB2_7-.Ltmp2, $1  }
0x1b: {  	_ =	sdelay $0x3  }
0x1c: {  	s12 =	simm.s32 $0x1  }
0x1d: {  	_ =	swait.ge [sflag:s5], $0x100;
	s12 =	simm.s32 @!p0 $0x0  }
0x1e: {  	[sflag:s5] =	ssyncset.done $0x0;
	s14 =	sshll.u32 s12, $0x8  }
0x1f: {  	[sflag:s5] =	ssyncadd.s32 $0xFFFFFF00;
	s13 =	sadd.s32 $0x0, s14  }
0x20: {  	v0 =	vld.msk [tilespmem:s13+$0x0 ss:$0x1], $0xffff;
	_ =	sdelay $0x4  }
0x21: {  	v1 =	vshll.u32 v0, $0x5  }
0x22: {  	vm2 =	veq.s32 v0, $0x80000000;
	v0 =	vshll.u32 v0, $0x14;
	v1 =	vand.u32 $0xFFF80, v1  }
0x23: {  	v0 =	vand.u32 $0x300000, v0;
	v1 =	vsel vm2, $0xFFFFFF80, v1  }
0x24: {  	v0 =	vsel vm2, $0xFFF00000, v0;
	v2 =	vand.u32 $0xFFFFFC00, v1  }
0x25: {  	v1 =	vand.u32 $0x380, v1;
	v0 =	vadd.s32 v0, v2  }
0x26: {  	v0 =	vor.u32 v1, v0  }
0x27: {  	v0 =	vshrl.u32 v0, $0x3;
	_ =	sdelay $0x2  }
0x28: {  	s12 =	sshll.u32 s12, $0xF  }
0x29: {  	s12 =	sor.u32 $0x200, s12  }
0x2a: {  	[tilespmem:s12], [sflag:$0x1] =	stream.indirect_vreg.gather [hbm:s2], $0x80, v0, vm0, $0x38;
	[tilespmem:$0x10200] =	vst v63  }
0x2b: {  	s15 =	sadd.s32 $0x10, s14;
	s13 =	sadd.s32 $0x400, s12  }
0x2c: {  	[tilespmem:s13], [sflag:$0x1] =	stream.indirect_vreg.gather [hbm:s2], $0x80, v0, vm1, $0x38;
	[tilespmem:$0x10200] =	vst v63  }
0x2d: {  	s16 =	simm.s32 $0x80;
	v0 =	vld.msk [tilespmem:s15+$0x0 ss:$0x1], $0xffff;
	s15 =	smov.u32 s12  }
.LBB2_3:
0x2e: {  	p1 =	sne.s32 s16, $0x3C0;
	_ =	sdelay $0x4  }
0x2f: {  	v1 =	vshll.u32 v0, $0x5  }
0x30: {  	vm2 =	veq.s32 v0, $0x80000000;
	v0 =	vshll.u32 v0, $0x14;
	v1 =	vand.u32 $0xFFF80, v1  }
0x31: {  	v0 =	vand.u32 $0x300000, v0;
	v1 =	vsel vm2, $0xFFFFFF80, v1  }
0x32: {  	v0 =	vsel vm2, $0xFFF00000, v0;
	v2 =	vand.u32 $0xFFFFFC00, v1  }
0x33: {  	v1 =	vand.u32 $0x380, v1;
	v0 =	vadd.s32 v0, v2  }
0x34: {  	v0 =	vor.u32 v1, v0  }
0x35: {  	v0 =	vshrl.u32 v0, $0x3;
	_ =	sdelay $0x3  }
.Ltmp3:
0x36: {  	s17 =	sshra.s32 s16, $0x2;
	s15 =	sadd.s32 $0x800, s15;
	(pc) =	sbr.rel @p1 .LBB2_3-.Ltmp3, $4  }
0x37: {  	[tilespmem:s15], [sflag:$0x1] =	stream.indirect_vreg.gather [hbm:s2], $0x80, v0, vm0, $0x38;
	[tilespmem:$0x10200] =	vst v63  }
0x38: {  	s17 =	sadd.s32 s17, s14;
	s18 =	sadd.s32 $0x400, s15  }
0x39: {  	[tilespmem:s18], [sflag:$0x1] =	stream.indirect_vreg.gather [hbm:s2], $0x80, v0, vm1, $0x38;
	[tilespmem:$0x10200] =	vst v63  }
0x3a: {  	s16 =	sadd.s32 $0x40, s16;
	v0 =	vld.msk [tilespmem:s17+$0x0 ss:$0x1], $0xffff  }
0x3b: {  	_ =	sdelay $0x3  }
0x3c: {  	v1 =	vshll.u32 v0, $0x5  }
0x3d: {  	vm2 =	veq.s32 v0, $0x80000000;
	v63 =	vshll.u32 v0, $0x14;
	v1 =	vand.u32 $0xFFF80, v1  }
0x3e: {  	v0 =	vand.u32 $0x300000, v63;
	v1 =	vsel vm2, $0xFFFFFF80, v1  }
0x3f: {  	v0 =	vsel vm2, $0xFFF00000, v0;
	v2 =	vand.u32 $0xFFFFFC00, v1  }
0x40: {  	v1 =	vand.u32 $0x380, v1;
	v0 =	vadd.s32 v0, v2  }
0x41: {  	v0 =	vor.u32 v1, v0  }
0x42: {  	v0 =	vshrl.u32 v0, $0x3;
	_ =	sdelay $0x3  }
0x43: {  	s14 =	sadd.s32 $0x800, s15  }
0x44: {  	[tilespmem:s14], [sflag:$0x1] =	stream.indirect_vreg.gather [hbm:s2], $0x80, v0, vm0, $0x38;
	[tilespmem:$0x10200] =	vst v63  }
0x45: {  	s14 =	sadd.s32 $0x400, s14  }
0x46: {  	[tilespmem:s14], [sflag:$0x1] =	stream.indirect_vreg.gather [hbm:s2], $0x80, v0, vm1, $0x38;
	[tilespmem:$0x10200] =	vst v63  }
0x47: {  	s11 =	sshll.u32 s11, $0x4;
	_ =	swait.ge [sflag:s4], $0x8000  }
0x48: {  	s11 =	sadd.s32 s11, s7;
	[sflag:s4] =	ssyncset.done $0x0  }
0x49: {  	s15 =	sadd.s32 $0x0, s11;
	s14 =	simm.s32 $0x80;
	[sflag:s4] =	ssyncadd.s32 $0xFFFF8000  }
.LBB2_5:
0x4a: {  	[hbm:s15] =	stream.linear.scatter [tilespmem:s12], [sflag:$0x3], $0x400, $0x38;
	[tilespmem:$0x10200] =	vst v63  }
0x4b: {  	s15 =	smov.u32 s14;
	s12 =	smov.u32 s13;
	p1 =	sne.s32 s14, $0xF80  }
.Ltmp4:
0x4c: {  	s14 =	sadd.s32 $0x80, s14;
	(pc) =	sbr.rel @p1 .LBB2_5-.Ltmp4, $2  }
0x4d: {  	_ =	sdelay $0x2  }
0x4e: {  	s13 =	sadd.s32 $0x400, s13;
	s15 =	sadd.s32 s15, s11  }
.Ltmp5:
0x4f: {  	(pc) =	sbr.rel .LBB2_7-.Ltmp5, $2  }
0x50: {  	_ =	sdelay $0x2  }
0x51: {  	[hbm:s15] =	stream.linear.scatter [tilespmem:s12], [sflag:$0x3], $0x400, $0x38;
	[tilespmem:$0x10200] =	vst v63  }
.LBB2_8:
0x52: {  	_ =	sfence.sel $0x180000  }
0x53: {  	s2 =	simm.s32 $0x2;
	[bflag:$0x0] =	sbarrier.arrive $0xFFFF  }
0x54: {  	s30 =	simm.s32 $0x3;
	[sflag:s2] =	ssyncpa.u1 $0x1  }
0x55: {  	s31 =	simm.s32 $0x1;
	[sflag:s30] =	ssyncpa.u1 $0x1  }
0x56: {  	[sflag:s31] =	ssyncpa.u1 $0x1  }
0x57: {  	p0 =	sne.s32 s1, $0x0;
	_ =	strace $0x9000004D  }
0x58: {  	s0 =	sadd.s32 @!p0 $0x100000, s0;
	[bflag:$0x2] =	sbarrier.arrive $0xFFFF  }
0x59: {  	[sflag:s0] =	ssyncadd.tile.s32 @!p0 $0x1;
	_ =	shalt  }
.Lfunc_end2:
_tile_overlayer_lowered:
.L_overlay_start_2:
0x5a: {  	(tag) =	ssettag $0x2  }
0x5b: {  	s0 =	rddreg [dreg:$0x0];
	s2 =	stileid.u32  }
0x5c: {  	s1 =	rddreg [dreg:$0x1];
	p0 =	sne.s32 s2, $0x0  }
0x5d: {  	s3 =	rddreg [dreg:$0x2];
	[bflag:$0x3] =	sbarrier.arrive $0xFFFF;
	s2 =	simm.s32 @!p0 $0x1C01  }
0x5e: {  	[timem:s3], [sflag:s2] =	dma.local @!p0 [hbm:s0], s1  }
0x5f: {  	s0 =	simm.s32 @!p0 $0x1  }
0x60: {  	_ =	swait.ge @!p0 [sflag:s0], s1  }
0x61: {  	s1 =	ssub.s32 @!p0 $0x0, s1;
	[sflag:s0] =	ssyncset.done @!p0 $0x0  }
0x62: {  	[sflag:s0] =	ssyncadd.s32 @!p0 s1  }
0x63: {  	[bflag:$0x3] =	sbarrier.arrive $0xFFFF  }
0x64: {  	_ =	shalt  }

// kernel: gather_offload_async_start
scs
__scs_entry_jumppad:
0x0: {  	(pc) =	sbr.rel $0x88, $3  }
0x1: {  	(tag) =	ssettag $0x0;
	lr =	simm.s32 $0x1  }
0x2: {  	[smem:$0x3F7B] =	sst lr;
	_ =	strace $0xD0000000  }
0x3: {  	_ = 	snop  }
0x4: {  	_ = 	snop  }
0x5: {  	_ = 	snop  }
0x6: {  	_ = 	snop  }
0x7: {  	_ = 	snop  }
__scs_overlays_trampoline_lowered:
0x8: {  	[smem:$0x3F8A] =	sst s0  }
0x9: {  	[smem:$0x3F8B] =	sst s1  }
0xa: {  	[smem:$0x3F8C] =	sst s2  }
0xb: {  	[smem:$0x3F8D] =	sst s3  }
0xc: {  	[smem:$0x3F8E] =	sst s4  }
0xd: {  	[smem:$0x3F8F] =	sst s5  }
0xe: {  	[smem:$0x3F90] =	sst s6  }
0xf: {  	[smem:$0x3F91] =	sst s7  }
0x10: {  	[smem:$0x3F92] =	sst s8  }
0x11: {  	[smem:$0x3F93] =	sst s9;
	s0 =	simm.s32 @!p0 $0x0  }
0x12: {  	s1 =	sld [smem:$0x3F79];
	s0 =	simm.s32 @p0 $0x1  }
0x13: {  	[smem:$0x3F94] =	sst s0;
	s0 =	simm.s32 @!p1 $0x0  }
0x14: {  	s2 =	sld [smem:$0x3F78];
	s0 =	simm.s32 @p1 $0x1  }
0x15: {  	[smem:$0x3F95] =	sst s0;
	s0 =	simm.s32 @!p2 $0x0  }
0x16: {  	s3 =	sld [smem:$0x3FDB];
	s0 =	simm.s32 @p2 $0x1  }
0x17: {  	s4 =	simm.s32 $0x1BF5;
	[smem:$0x3F97] =	sst s0  }
0x18: {  	s0 =	sld [smem:$0x3F7A];
	_ =	swait.ge [sflag:s4], $0x0  }
0x19: {  	s7 =	sld [smem:$0x3F7B]  }
0x1a: {  	s8 =	sadd.s32 $0xFFFFE003, lr  }
0x1b: {  	s9 =	sadd.s32 $0xFFFFFEF7, lr;
	s5 =	simm.s32 $0xFFFFFFFF;
	p2 =	slt.u32 s8, $0xFFFFF086  }
0x1c: {  	p1 =	slt.u32 s9, $0xF7A;
	s5 =	simm.s32 @!p2 $0x0  }
0x1d: {  	s5 =	simm.s32 @p1 $0x1;
	p0 =	seq.s32 s7, s2  }
0x1e: {  	s7 =	smul.u32 @!p0 $0xF7A, s2;
	p2 =	seq.s32 @!p0 s5, $0x0  }
0x1f: {  	s9 =	smul.u32 $0xF7A, s1;
	s8 =	simm.s32 @!p0 $0x1BF5;
	p2 =	por !p2, p0  }
0x20: {  	[sflag:s8] =	ssyncset.s32 @!p0 $0xFFFFF086;
	s6 =	sadd.s32 @!p0 s3, s7;
	s7 =	simm.s32 @!p0 $0x108  }
0x21: {  	s3 =	sadd.s32 s3, s9;
	s6 =	sadd.s32 @!p0 $0x88, s6;
	s7 =	simm.s32 @p2 $0x1082  }
0x22: {  	[simem:s7], [sflag:s8] =	dma.local @!p0 [hbm:s6], $0xF7A  }
0x23: {  	s9 =	sor.u32 $0xD0000000, s2;
	s6 =	simm.s32 $0x108;
	_ =	swait.ge @!p0 [sflag:s8], $0x0  }
0x24: {  	s3 =	sadd.s32 $0x88, s3;
	s6 =	simm.s32 @!p1 $0x1082;
	[sflag:s4] =	ssyncset.s32 $0xFFFFF086  }
0x25: {  	[simem:s6], [sflag:s4] =	dma.local [hbm:s3], $0xF7A  }
0x26: {  	[smem:$0x3F7B] =	sst s1;
	(tag) =	ssettag s2;
	_ =	strace s9  }
0x27: {  	s1 =	sld [smem:$0x3F8B]  }
0x28: {  	s2 =	sld [smem:$0x3F8C]  }
0x29: {  	s4 =	sld [smem:$0x3F8E]  }
0x2a: {  	p0 =	seq.s32 s5, $0x0;
	s5 =	sld [smem:$0x3F8F]  }
0x2b: {  	s6 =	sld [smem:$0x3F90]  }
0x2c: {  	s7 =	sld [smem:$0x3F91]  }
0x2d: {  	s3 =	simm.s32 $0x108;
	s8 =	sld [smem:$0x3F92]  }
0x2e: {  	s3 =	simm.s32 @!p0 $0x1082;
	s9 =	sld [smem:$0x3F93]  }
0x2f: {  	lr =	sadd.s32 s0, s3;
	s0 =	sld [smem:$0x3F8A]  }
0x30: {  	s3 =	sld [smem:$0x3F8D]  }
0x31: {  	[smem:$0x3F96] =	sst s10  }
0x32: {  	s10 =	sld [smem:$0x3F94];
	_ =	sdelay $0x3  }
0x33: {  	p0 =	seq.s32 s10, $0x1;
	s10 =	sld [smem:$0x3F96];
	_ =	sdelay $0x3  }
0x34: {  	[smem:$0x3F96] =	sst s10  }
0x35: {  	s10 =	sld [smem:$0x3F95];
	_ =	sdelay $0x3  }
0x36: {  	p1 =	seq.s32 s10, $0x1;
	s10 =	sld [smem:$0x3F96];
	_ =	sdelay $0x3  }
0x37: {  	[smem:$0x3F96] =	sst s10  }
0x38: {  	s10 =	sld [smem:$0x3F97]  }
0x39: {  	_ = 	snop;
	(pc) =	sbr.ind lr, $3  }
0x3a: {  	_ = 	snop  }
0x3b: {  	_ = 	snop  }
0x3c: {  	p2 =	seq.s32 s10, $0x1;
	s10 =	sld [smem:$0x3F96]  }
0x3d: {  	_ =	shalt  }
0x3e: {  	_ =	shalt  }
0x3f: {  	_ =	shalt  }
0x40: {  	_ =	shalt  }
0x41: {  	_ =	shalt  }
0x42: {  	_ =	shalt  }
0x43: {  	_ =	shalt  }
0x44: {  	_ =	shalt  }
0x45: {  	_ =	shalt  }
0x46: {  	_ =	shalt  }
0x47: {  	_ =	shalt  }
0x48: {  	_ =	shalt  }
0x49: {  	_ =	shalt  }
0x4a: {  	_ =	shalt  }
0x4b: {  	_ =	shalt  }
0x4c: {  	_ =	shalt  }
0x4d: {  	_ =	shalt  }
0x4e: {  	_ =	shalt  }
0x4f: {  	_ =	shalt  }
0x50: {  	_ =	shalt  }
0x51: {  	_ =	shalt  }
0x52: {  	_ =	shalt  }
0x53: {  	_ =	shalt  }
0x54: {  	_ =	shalt  }
0x55: {  	_ =	shalt  }
0x56: {  	_ =	shalt  }
0x57: {  	_ =	shalt  }
0x58: {  	_ =	shalt  }
0x59: {  	_ =	shalt  }
0x5a: {  	_ =	shalt  }
0x5b: {  	_ =	shalt  }
0x5c: {  	_ =	shalt  }
0x5d: {  	_ =	shalt  }
0x5e: {  	_ =	shalt  }
0x5f: {  	_ =	shalt  }
0x60: {  	_ =	shalt  }
0x61: {  	_ =	shalt  }
0x62: {  	_ =	shalt  }
0x63: {  	_ =	shalt  }
0x64: {  	_ =	shalt  }
0x65: {  	_ =	shalt  }
0x66: {  	_ =	shalt  }
0x67: {  	_ =	shalt  }
0x68: {  	_ =	shalt  }
0x69: {  	_ =	shalt  }
0x6a: {  	_ =	shalt  }
0x6b: {  	_ =	shalt  }
0x6c: {  	_ =	shalt  }
0x6d: {  	_ =	shalt  }
0x6e: {  	_ =	shalt  }
0x6f: {  	_ =	shalt  }
0x70: {  	_ =	shalt  }
0x71: {  	_ =	shalt  }
0x72: {  	_ =	shalt  }
0x73: {  	_ =	shalt  }
0x74: {  	_ =	shalt  }
0x75: {  	_ =	shalt  }
0x76: {  	_ =	shalt  }
0x77: {  	_ =	shalt  }
0x78: {  	_ =	shalt  }
0x79: {  	_ =	shalt  }
0x7a: {  	_ =	shalt  }
0x7b: {  	_ =	shalt  }
0x7c: {  	_ =	shalt  }
0x7d: {  	_ =	shalt  }
0x7e: {  	_ =	shalt  }
0x7f: {  	_ =	shalt  }
0x80: {  	_ =	shalt  }
0x81: {  	_ =	shalt  }
0x82: {  	_ =	shalt  }
0x83: {  	_ =	shalt  }
0x84: {  	_ =	shalt  }
0x85: {  	_ =	shalt  }
0x86: {  	_ =	shalt  }
0x87: {  	_ =	shalt  }
.Lfunc_end0:
.L_simem_size_0:
called_computation.2_lowered:
.L_overlay_start_0:
0x88: {  	s2 =	sld [smem:$0x3FD9]  }
0x89: {  	s3 =	sld [smem:$0x3FFE];
	_ =	sdelay $0x1  }
0x8a: {  	s1 =	srdreg.scid  }
0x8b: {  	s0 =	sand.u32 $0x1, s1  }
0x8c: {  	s14 =	sshll.u32 s0, $0xA;
	s2 =	sadd.s32 s3, s2  }
0x8d: {  	s2 =	sadd.s32 s2, s14  }
0x8e: {  	[smem:$0x3FA2] =	sst s2  }
0x8f: {  	_ = 	snop  }
0x90: {  	s2 =	sld [smem:$0x3FD0];
	_ =	sdelay $0x2  }
0x91: {  	s15 =	simm.s32 $0xC;
	s4 =	simm.s32 $0x10  }
0x92: {  	[smem:s4], [sflag:s15] =	dma.local [hbm:s2], $0x1  }
0x93: {  	_ =	swait.eq [sflag:s15], $0x1  }
0x94: {  	[sflag:s15] =	ssyncset.done $0x0  }
0x95: {  	[sflag:s15] =	ssyncadd.s32 $0xFFFFFFFF  }
0x96: {  	s16 =	sld [smem:$0x10];
	(tm) =	ssettm $0x1  }
0x97: {  	s17 =	sld [smem:$0x3FFB];
	_ =	sdelay $0x3  }
0x98: {  	_ =	strace s17  }
0x99: {  	s3 =	sld [smem:$0x3FFC];
	_ =	sdelay $0x3  }
0x9a: {  	_ =	strace s3  }
0x9b: {  	s3 =	sld [smem:$0x3FFD];
	_ =	sdelay $0x3  }
0x9c: {  	_ =	strace s3  }
0x9d: {  	_ =	strace $0x8FFFFFFF  }
0x9e: {  	s18 =	sld [smem:$0x3FDB];
	_ =	sdelay $0x1  }
0x9f: {  	s19 =	simm.s32 $_scs_section_size  }
0xa0: {  	s5 =	simm.s32 $_size__tile_overlayer_lowered;
	s6 =	simm.s32 $_tile_overlayer_lowered  }
0xa1: {  	s22 =	simm.s32 $0x1BFF;
	s21 =	sshll.u32 s6, $0x1;
	s3 =	sadd.s32 s19, s18  }
0xa2: {  	s7 =	simm.s32 $0x0;
	s20 =	sshll.u32 s5, $0x1;
	s5 =	sadd.s32 s21, s3  }
0xa3: {  	[timem:s7], [sflag:s22] =	dma.local [hbm:s5], s20  }
0xa4: {  	_ =	swait.ge [sflag:s22], s20  }
0xa5: {  	s4 =	ssub.s32 $0x0, s20;
	[sflag:s22] =	ssyncset.done $0x0  }
0xa6: {  	[sflag:s22] =	ssyncadd.s32 s4;
	_ =	sdelay $0x1  }
0xa7: {  	s23 =	simm.s32 $0x1B8B  }
0xa8: {  	_ =	swait.ge [sflag:s23], $0x1  }
0xa9: {  	[sflag:s23] =	ssyncset.done $0x0  }
0xaa: {  	s25 =	simm.s32 $0x1B8E;
	s24 =	sld [smem:$0x3FFE];
	[sflag:s23] =	ssyncadd.s32 $0xFFFFFFFF  }
0xab: {  	s26 =	simm.s32 $execute0_lowered;
	[smem:$0x3FD2] =	sst s25  }
0xac: {  	s5 =	sshll.u32 s26, $0x1;
	_ =	strace $0x80000046;
	[dreg:$0x1] =	wrdreg $0xFFFFFFFF  }
0xad: {  	s28 =	simm.s32 $_size_execute0_lowered;
	s3 =	sadd.s32 s3, s5;
	[dreg:$0x0] =	wrdreg $0x0  }
0xae: {  	s5 =	sshll.u32 s28, $0x1;
	[dreg:$0x2] =	wrdreg s3  }
0xaf: {  	[dreg:$0x3] =	wrdreg s5  }
0xb0: {  	[dreg:$0x4] =	wrdreg $0xC0  }
0xb1: {  	_ =	task [dreg:s7], $0x5FFFF  }
0xb2: {  	[dreg:$0x1] =	wrdreg $0xFFFFFFFF  }
0xb3: {  	[dreg:$0x0] =	wrdreg $0x60  }
0xb4: {  	[dreg:$0x2] =	wrdreg s24  }
0xb5: {  	[dreg:$0x3] =	wrdreg s16  }
0xb6: {  	[dreg:$0x4] =	wrdreg $0x9  }
0xb7: {  	_ =	task.clear_ibuf [dreg:s7], $0x5FFFF;
	_ =	strace $0x90000046  }
0xb8: {  	s29 =	simm.s32 $0x9;
	_ =	strace $0x80000048  }
0xb9: {  	_ =	swait.ge [sflag:s29], $0x1  }
0xba: {  	[sflag:s29] =	ssyncadd.s32 $0xFFFFFFFF  }
0xbb: {  	_ =	strace $0x90000048  }
0xbc: {  	_ =	sfence  }
0xbd: {  	s30 =	sld [smem:$0x0];
	_ =	sdelay $0x2  }
0xbe: {  	s31 =	sshll.u32 s1, $0xD;
	s1 =	sshrl.u32 s1, $0x2  }
0xbf: {  	s3 =	sand.u32 $0x4000, s31;
	s1 =	sadd.s32 s1, s30  }
0xc0: {  	s0 =	sor.u32 s3, s0;
	s1 =	sshll.u32 s1, $0x11  }
0xc1: {  	s0 =	sor.u32 s1, s0  }
0xc2: {  	s0 =	sadd.s32 $0x8F2B, s0  }
0xc3: {  	[sflag:s0] =	ssyncadd.remote.s32 $0x1  }
0xc4: {  	_ =	sfence.sel $0xFFFF  }
0xc5: {  	[dreg:$0x0] =	wrdreg $0xFFFFFFFF;
	(pc) =	sbr.abs _section_cstart, $3  }
0xc6: {  	[dreg:$0x1] =	wrdreg $0xFFFFFFFF  }
0xc7: {  	_ =	task.clear_ibuf [dreg:s7], $0x2FFFF;
	_ =	strace $0x9FFFFFFF  }
0xc8: {  	(tm) =	ssettm $0x7FFFFFFF  }
0xc9: {  	_ =	shalt  }
tec
execute0_lowered:
.L_overlay_start_1:
0x0: {  	(tag) =	ssettag $0x1  }
0x1: {  	s7 =	rddreg [dreg:$0x0]  }
0x2: {  	s2 =	rddreg [dreg:$0x1]  }
0x3: {  	s0 =	rddreg [dreg:$0x2]  }
0x4: {  	s1 =	srdreg.scid;
	_ =	strace $0x80000047;
	s4 =	simm.s32 $0x1  }
0x5: {  	s9 =	simm.s32 $0x3;
	s12 =	simm.s32 $0x0;
	s5 =	sshll.u32 s1, $0x4  }
.Ltmp0:
0x6: {  	s1 =	stileid.u32;
	s5 =	sand.u32 $0x10, s5;
	(pc) =	sbr.rel .LBB2_1-.Ltmp0, $4  }
0x7: {  	s10 =	simm.s32 $0x0;
	s3 =	sadd.s32 $0x5600, s7;
	s6 =	sor.u32 s1, s5  }
0x8: {  	[sflag:s4] =	ssyncpa.u1 $0x0;
	s5 =	simm.s32 $0x2;
	s6 =	sshll.u32 s6, $0x6  }
0x9: {  	s7 =	sadd.s32 $0x85600, s7;
	[sflag:s5] =	ssyncpa.u1 $0x0;
	s8 =	sadd.s32 $0x40, s6  }
0xa: {  	vm0 =	vmmov $0xff;
	vm1 =	vcmask $0x3F20;
	[sflag:s9] =	ssyncpa.u1 $0x0;
	s9 =	simm.s32 $0x40;
	s11 =	smov.u32 s6  }
.LBB2_9:
0xb: {  	p0 =	seq.s32 s10, $0x2  }
.Ltmp1:
0xc: {  	_ = 	snop;
	(pc) =	sbr.rel @p0 .LBB2_11-.Ltmp1, $1  }
0xd: {  	_ =	sdelay $0x3  }
.LBB2_10:
0xe: {  	s12 =	sadd.s32 $0x40, s11  }
0xf: {  	s13 =	smov.u32 s6;
	p0 =	slt.s32 s12, s8  }
0x10: {  	s13 =	smov.u32 @p0 s12  }
0x11: {  	s10 =	sadd.s32 $0x1, s10;
	s12 =	smov.u32 s11;
	s11 =	smov.u32 s13  }
.LBB2_1:
0x12: {  	p0 =	sne.s32 s10, $0x0  }
.Ltmp2:
0x13: {  	_ = 	snop;
	(pc) =	sbr.rel @!p0 .LBB2_2-.Ltmp2, $1  }
0x14: {  	_ =	sdelay $0x3  }
0x15: {  	s13 =	sand.u32 $0x1, s10  }
0x16: {  	p0 =	seq.s32 s13, $0x0  }
.Ltmp3:
0x17: {  	_ = 	snop;
	(pc) =	sbr.rel @p0 .LBB2_9-.Ltmp3, $1  }
0x18: {  	_ =	sdelay $0x3  }
0x19: {  	_ =	swait.ge [sflag:s5], $0x40  }
0x1a: {  	[sflag:s5] =	ssyncset.done $0x0  }
0x1b: {  	s13 =	simm.s32 $0x0;
	[sflag:s5] =	ssyncadd.s32 $0xFFFFFFC0  }
0x1c: {  	v0 =	vld.msk [tilespmem:s13+$0x40 ss:$0x1], $0xffff;
	_ =	sdelay $0x4  }
0x1d: {  	v1 =	vshll.u32 v0, $0x5  }
0x1e: {  	vm2 =	veq.s32 v0, $0x80000000;
	v0 =	vshll.u32 v0, $0x14;
	v1 =	vand.u32 $0xFFF80, v1  }
0x1f: {  	v0 =	vand.u32 $0x300000, v0;
	v1 =	vsel vm2, $0xFFFFFF80, v1  }
0x20: {  	v0 =	vsel vm2, $0xFFF00000, v0;
	v2 =	vand.u32 $0xFFFFFC00, v1  }
0x21: {  	v1 =	vand.u32 $0x380, v1;
	v0 =	vadd.s32 v0, v2  }
0x22: {  	v0 =	vor.u32 v1, v0  }
0x23: {  	v0 =	vshrl.u32 v0, $0x3;
	_ =	sdelay $0x3  }
0x24: {  	s13 =	simm.s32 $0x2080  }
0x25: {  	[tilespmem:s13], [sflag:$0x1] =	stream.indirect_vreg.gather [hbm:s3], $0x80, v0, vm0, $0x38;
	[tilespmem:$0x4080] =	vst v63  }
0x26: {  	s14 =	simm.s32 $0x2480;
	s31 =	simm.s32 $0x10  }
0x27: {  	[tilespmem:s14], [sflag:$0x1] =	stream.indirect_vreg.gather [hbm:s3], $0x80, v0, vm1, $0x38;
	[tilespmem:$0x4080] =	vst v63  }
0x28: {  	s14 =	simm.s32 $0x80;
	v0 =	vld.msk [tilespmem:s31+$0x40 ss:$0x1], $0xffff  }
.LBB2_5:
0x29: {  	p0 =	sne.s32 s14, $0xC0;
	_ =	sdelay $0x4  }
0x2a: {  	v1 =	vshll.u32 v0, $0x5  }
0x2b: {  	vm2 =	veq.s32 v0, $0x80000000;
	v0 =	vshll.u32 v0, $0x14;
	v1 =	vand.u32 $0xFFF80, v1  }
0x2c: {  	v0 =	vand.u32 $0x300000, v0;
	v1 =	vsel vm2, $0xFFFFFF80, v1  }
0x2d: {  	v0 =	vsel vm2, $0xFFF00000, v0;
	v2 =	vand.u32 $0xFFFFFC00, v1  }
0x2e: {  	v1 =	vand.u32 $0x380, v1;
	v0 =	vadd.s32 v0, v2  }
0x2f: {  	v0 =	vor.u32 v1, v0  }
0x30: {  	v0 =	vshrl.u32 v0, $0x3;
	_ =	sdelay $0x3  }
.Ltmp4:
0x31: {  	s13 =	sadd.s32 $0x800, s13;
	(pc) =	sbr.rel @p0 .LBB2_5-.Ltmp4, $4  }
0x32: {  	[tilespmem:s13], [sflag:$0x1] =	stream.indirect_vreg.gather [hbm:s3], $0x80, v0, vm0, $0x38;
	[tilespmem:$0x4080] =	vst v63  }
0x33: {  	s15 =	sshra.s32 s14, $0x2;
	s16 =	sadd.s32 $0x400, s13  }
0x34: {  	[tilespmem:s16], [sflag:$0x1] =	stream.indirect_vreg.gather [hbm:s3], $0x80, v0, vm1, $0x38;
	[tilespmem:$0x4080] =	vst v63  }
0x35: {  	s14 =	sadd.s32 $0x40, s14;
	v0 =	vld.msk [tilespmem:s15+$0x40 ss:$0x1], $0xffff  }
0x36: {  	_ =	sdelay $0x3  }
0x37: {  	v1 =	vshll.u32 v0, $0x5  }
0x38: {  	vm2 =	veq.s32 v0, $0x80000000;
	v63 =	vshll.u32 v0, $0x14;
	v1 =	vand.u32 $0xFFF80, v1  }
0x39: {  	v0 =	vand.u32 $0x300000, v63;
	v1 =	vsel vm2, $0xFFFFFF80, v1  }
0x3a: {  	v0 =	vsel vm2, $0xFFF00000, v0;
	v2 =	vand.u32 $0xFFFFFC00, v1  }
0x3b: {  	v1 =	vand.u32 $0x380, v1;
	v0 =	vadd.s32 v0, v2  }
0x3c: {  	v0 =	vor.u32 v1, v0  }
0x3d: {  	v0 =	vshrl.u32 v0, $0x3;
	_ =	sdelay $0x3  }
0x3e: {  	s13 =	sadd.s32 $0x800, s13  }
0x3f: {  	[tilespmem:s13], [sflag:$0x1] =	stream.indirect_vreg.gather [hbm:s3], $0x80, v0, vm0, $0x38;
	[tilespmem:$0x4080] =	vst v63  }
0x40: {  	s13 =	sadd.s32 $0x400, s13  }
0x41: {  	[tilespmem:s13], [sflag:$0x1] =	stream.indirect_vreg.gather [hbm:s3], $0x80, v0, vm1, $0x38;
	[tilespmem:$0x4080] =	vst v63  }
0x42: {  	s12 =	sshll.u32 s12, $0x4;
	s14 =	simm.s32 $0x80;
	_ =	swait.ge [sflag:s4], $0x2000  }
0x43: {  	s15 =	simm.s32 $0x2480;
	s12 =	sadd.s32 s12, s7;
	[sflag:s4] =	ssyncset.done $0x0  }
0x44: {  	s16 =	sadd.s32 $0x0, s12;
	s13 =	simm.s32 $0x2080;
	[sflag:s4] =	ssyncadd.s32 $0xFFFFE000  }
.LBB2_7:
0x45: {  	[hbm:s16] =	stream.linear.scatter [tilespmem:s13], [sflag:$0x3], $0x400, $0x38;
	[tilespmem:$0x4080] =	vst v63  }
0x46: {  	s16 =	smov.u32 s14;
	s13 =	smov.u32 s15;
	p0 =	sne.s32 s14, $0x380  }
.Ltmp5:
0x47: {  	s14 =	sadd.s32 $0x80, s14;
	(pc) =	sbr.rel @p0 .LBB2_7-.Ltmp5, $2  }
0x48: {  	_ =	sdelay $0x2  }
0x49: {  	s15 =	sadd.s32 $0x400, s15;
	s16 =	sadd.s32 s16, s12  }
.Ltmp6:
0x4a: {  	(pc) =	sbr.rel .LBB2_9-.Ltmp6, $2  }
0x4b: {  	_ =	sdelay $0x2  }
0x4c: {  	[hbm:s16] =	stream.linear.scatter [tilespmem:s13], [sflag:$0x3], $0x400, $0x38;
	[tilespmem:$0x4080] =	vst v63  }
.LBB2_2:
.Ltmp7:
0x4d: {  	(pc) =	sbr.rel .LBB2_10-.Ltmp7, $4  }
0x4e: {  	_ = 	snop  }
0x4f: {  	s12 =	sshrl.u32 s11, $0x3  }
0x50: {  	s13 =	sand.u32 $0x7, s11;
	s12 =	sadd.s32 s2, s12  }
0x51: {  	[tilespmem:s9], [sflag:$0x2] =	stream.linear.gather [hbm4b:s12+s13], $0x40, $0x38;
	[tilespmem:$0x4080] =	vst v63  }
.LBB2_11:
0x52: {  	s2 =	simm.s32 $0x3  }
0x53: {  	_ =	swait.ge [sflag:s2], $0x2000  }
0x54: {  	[sflag:s2] =	ssyncset.done $0x0  }
0x55: {  	[sflag:s2] =	ssyncadd.s32 $0xFFFFE000  }
0x56: {  	_ =	sfence.sel $0x180000  }
0x57: {  	s3 =	simm.s32 $0x2;
	[bflag:$0x0] =	sbarrier.arrive $0xFFFF  }
0x58: {  	[sflag:s3] =	ssyncpa.u1 $0x1  }
0x59: {  	s31 =	simm.s32 $0x1;
	[sflag:s2] =	ssyncpa.u1 $0x1  }
0x5a: {  	[sflag:s31] =	ssyncpa.u1 $0x1  }
0x5b: {  	p0 =	sne.s32 s1, $0x0;
	_ =	strace $0x90000047  }
0x5c: {  	s0 =	sadd.s32 @!p0 $0x100000, s0;
	[bflag:$0x2] =	sbarrier.arrive $0xFFFF  }
0x5d: {  	[sflag:s0] =	ssyncadd.tile.s32 @!p0 $0x1;
	_ =	shalt  }
.Lfunc_end2:
_tile_overlayer_lowered:
.L_overlay_start_2:
0x5e: {  	(tag) =	ssettag $0x2  }
0x5f: {  	s0 =	rddreg [dreg:$0x0];
	s2 =	stileid.u32  }
0x60: {  	s1 =	rddreg [dreg:$0x1];
	p0 =	sne.s32 s2, $0x0  }
0x61: {  	s3 =	rddreg [dreg:$0x2];
	[bflag:$0x3] =	sbarrier.arrive $0xFFFF;
	s2 =	simm.s32 @!p0 $0x1C01  }
0x62: {  	[timem:s3], [sflag:s2] =	dma.local @!p0 [hbm:s0], s1  }
0x63: {  	s0 =	simm.s32 @!p0 $0x1  }
0x64: {  	_ =	swait.ge @!p0 [sflag:s0], s1  }
0x65: {  	s1 =	ssub.s32 @!p0 $0x0, s1;
	[sflag:s0] =	ssyncset.done @!p0 $0x0  }
0x66: {  	[sflag:s0] =	ssyncadd.s32 @!p0 s1  }
0x67: {  	[bflag:$0x3] =	sbarrier.arrive $0xFFFF  }
0x68: {  	_ =	shalt  }

// kernel: sparse-core-data-format-call.1.cloned.1.call-start
scs
called_computation.1_lowered:
.L_overlay_start_0:
0x0: {  	s1 =	sld [smem:$0x3FD9]  }
0x1: {  	s2 =	sld [smem:$0x3FFE];
	_ =	sdelay $0x1  }
0x2: {  	s3 =	srdreg.scid  }
0x3: {  	s0 =	sand.u32 $0x1, s3  }
0x4: {  	s17 =	sshll.u32 s0, $0xA;
	s1 =	sadd.s32 s2, s1  }
0x5: {  	s1 =	sadd.s32 s1, s17  }
0x6: {  	[smem:$0x3FA2] =	sst s1  }
0x7: {  	_ = 	snop  }
0x8: {  	(tm) =	ssettm $0x1  }
0x9: {  	s18 =	sld [smem:$0x3FFB];
	_ =	sdelay $0x3  }
0xa: {  	_ =	strace s18  }
0xb: {  	s1 =	sld [smem:$0x3FFC];
	_ =	sdelay $0x3  }
0xc: {  	_ =	strace s1  }
0xd: {  	s1 =	sld [smem:$0x3FFD];
	_ =	sdelay $0x3  }
0xe: {  	_ =	strace s1  }
0xf: {  	_ =	strace $0x8FFFFFFF  }
0x10: {  	s19 =	sld [smem:$0x3FDB];
	_ =	sdelay $0x1  }
0x11: {  	s20 =	simm.s32 $_scs_section_size  }
0x12: {  	s4 =	simm.s32 $_size__tile_overlayer_lowered;
	s5 =	simm.s32 $_tile_overlayer_lowered  }
0x13: {  	s23 =	simm.s32 $0x1BFF;
	s22 =	sshll.u32 s5, $0x1;
	s1 =	sadd.s32 s20, s19  }
0x14: {  	s6 =	simm.s32 $0x0;
	s21 =	sshll.u32 s4, $0x1;
	s4 =	sadd.s32 s22, s1  }
0x15: {  	[timem:s6], [sflag:s23] =	dma.local [hbm:s4], s21  }
0x16: {  	_ =	swait.ge [sflag:s23], s21  }
0x17: {  	s2 =	ssub.s32 $0x0, s21;
	[sflag:s23] =	ssyncset.done $0x0  }
0x18: {  	[sflag:s23] =	ssyncadd.s32 s2;
	_ =	sdelay $0x1  }
0x19: {  	s24 =	simm.s32 $0x1B8B  }
0x1a: {  	_ =	swait.ge [sflag:s24], $0x1  }
0x1b: {  	[sflag:s24] =	ssyncset.done $0x0  }
0x1c: {  	s26 =	simm.s32 $0x1B8E;
	s25 =	sld [smem:$0x3FFE];
	[sflag:s24] =	ssyncadd.s32 $0xFFFFFFFF  }
0x1d: {  	s27 =	simm.s32 $execute0_lowered;
	[smem:$0x3FD2] =	sst s26  }
0x1e: {  	s4 =	sshll.u32 s27, $0x1;
	_ =	strace $0x80000049;
	[dreg:$0x1] =	wrdreg $0xFFFFFFFF  }
0x1f: {  	s28 =	simm.s32 $_size_execute0_lowered;
	s1 =	sadd.s32 s1, s4;
	[dreg:$0x0] =	wrdreg $0x0  }
0x20: {  	s4 =	sshll.u32 s28, $0x1;
	[dreg:$0x2] =	wrdreg s1  }
0x21: {  	[dreg:$0x3] =	wrdreg s4  }
0x22: {  	[dreg:$0x4] =	wrdreg $0xC0  }
0x23: {  	_ =	task [dreg:s6], $0x5FFFF  }
0x24: {  	[dreg:$0x1] =	wrdreg $0xFFFFFFFF  }
0x25: {  	[dreg:$0x0] =	wrdreg $0x60  }
0x26: {  	[dreg:$0x2] =	wrdreg s25  }
0x27: {  	[dreg:$0x3] =	wrdreg $0xB  }
0x28: {  	_ =	task.clear_ibuf [dreg:s6], $0x4FFFF;
	_ =	strace $0x90000049  }
0x29: {  	s29 =	simm.s32 $0xB;
	_ =	strace $0x8000004B  }
0x2a: {  	_ =	swait.ge [sflag:s29], $0x1  }
0x2b: {  	[sflag:s29] =	ssyncadd.s32 $0xFFFFFFFF  }
0x2c: {  	_ =	strace $0x9000004B  }
0x2d: {  	_ =	sfence  }
0x2e: {  	s30 =	sld [smem:$0x0];
	_ =	sdelay $0x2  }
0x2f: {  	s31 =	sshll.u32 s3, $0xD;
	s3 =	sshrl.u32 s3, $0x2  }
0x30: {  	s2 =	sand.u32 $0x4000, s31;
	s1 =	sadd.s32 s3, s30  }
0x31: {  	s0 =	sor.u32 s2, s0;
	s1 =	sshll.u32 s1, $0x11  }
0x32: {  	s0 =	sor.u32 s1, s0  }
0x33: {  	s0 =	sadd.s32 $0x8F2B, s0  }
0x34: {  	[sflag:s0] =	ssyncadd.remote.s32 $0x1  }
0x35: {  	_ =	sfence.sel $0xFFFF  }
0x36: {  	[dreg:$0x0] =	wrdreg $0xFFFFFFFF;
	(pc) =	sbr.abs _section_cstart, $3  }
0x37: {  	[dreg:$0x1] =	wrdreg $0xFFFFFFFF  }
0x38: {  	_ =	task.clear_ibuf [dreg:s6], $0x2FFFF;
	_ =	strace $0x9FFFFFFF  }
0x39: {  	(tm) =	ssettm $0x7FFFFFFF  }
tec
execute0_lowered:
.L_overlay_start_1:
0x0: {  	(tag) =	ssettag $0x1  }
0x1: {  	s10 =	rddreg [dreg:$0x0]  }
0x2: {  	s0 =	rddreg [dreg:$0x1];
	s1 =	stileid.u32  }
0x3: {  	_ =	strace $0x8000004A;
	s3 =	srdreg.scid;
	s9 =	simm.s32 $0x2  }
0x4: {  	s19 =	simm.s32 $0x0;
	s12 =	simm.s32 $0x10000;
	s17 =	simm.s32 $0x0  }
0x5: {  	s18 =	simm.s32 $0x0;
	s15 =	simm.s32 $0x0;
	s16 =	simm.s32 $0x0  }
0x6: {  	s4 =	sshll.u32 s1, $0x7;
	s2 =	sadd.s32 $0xB12200, s10;
	s5 =	sshll.u32 s3, $0x4  }
0x7: {  	s3 =	sand.u32 $0x180, s4;
	s4 =	sadd.s32 $0x312200, s10;
	s5 =	sand.u32 $0x10, s5  }
0x8: {  	s6 =	ssub.s32 $0x200, s3;
	s7 =	sor.u32 s1, s5;
	s5 =	simm.s32 $0x1  }
0x9: {  	s14 =	smov.u32 s3;
	s8 =	sand.u32 $0x180, s6;
	[sflag:s5] =	ssyncpa.u1 $0x0  }
.Ltmp0:
0xa: {  	p0 =	sne.s32 s8, $0x0;
	s8 =	simm.s32 $0x1;
	(pc) =	sbr.rel .LBB1_1-.Ltmp0, $4  }
0xb: {  	s11 =	sshrl.u32 s6, $0x9;
	s6 =	sshrl.u32 s7, $0x2;
	s8 =	simm.s32 @!p0 $0x0  }
0xc: {  	[sflag:s9] =	ssyncpa.u1 $0x0;
	s9 =	sadd.s32 $0xD12200, s10;
	s31 =	sadd.s32 s8, s11  }
0xd: {  	s13 =	smov.u32 s6;
	p0 =	por $0x0, $0x0;
	s7 =	sshll.u32 s31, $0x4  }
0xe: {  	s8 =	sadd.s32 $0xC12200, s10;
	s10 =	sadd.s32 $0xE12200, s10;
	s11 =	sor.u32 $0x1, s7  }
.LBB1_7:
0xf: {  	s20 =	sadd.s32 $0x8, s13  }
0x10: {  	s17 =	sadd.s32 $0x200, s14;
	s21 =	smov.u32 s14;
	p2 =	sgt.s32 s20, $0x7F  }
0x11: {  	s21 =	smov.u32 @p2 s17  }
0x12: {  	s23 =	smov.u32 s15;
	s17 =	sadd.s32 $0x4, s15;
	p3 =	sgt.s32 s21, $0x1FF  }
0x13: {  	s23 =	smov.u32 @p3 s17  }
0x14: {  	s20 =	smov.u32 @p2 s6;
	p2 =	sgt.s32 s23, $0x3  }
0x15: {  	p1 =	slt.u32 s16, $0x2;
	s23 =	simm.s32 @p2 $0x0;
	p2 =	sne.s32 s16, s11  }
.Ltmp1:
0x16: {  	s22 =	simm.s32 @!p1 $0x2;
	(pc) =	sbr.rel @!p2 .LBB1_8-.Ltmp1, $4  }
0x17: {  	s19 =	smov.u32 s13;
	s18 =	smov.u32 s15;
	_ =	swait.ge @!p1 [sflag:s22], $0x4000  }
0x18: {  	p0 =	por !p0, !p0;
	[sflag:s22] =	ssyncset.done @!p1 $0x0;
	s13 =	smov.u32 s20  }
0x19: {  	s21 =	smov.u32 @p3 s3;
	s17 =	smov.u32 s14;
	[sflag:s22] =	ssyncadd.s32 @!p1 $0xFFFFC000  }
0x1a: {  	s14 =	smov.u32 s21;
	s16 =	sadd.s32 $0x1, s16;
	s15 =	smov.u32 s23  }
.LBB1_1:
0x1b: {  	p1 =	sge.u32 s16, s7  }
0x1c: {  	s20 =	sxor.u32 @!p1 $0xFFFFFFFF, s16;
	s21 =	sshll.u32 @!p1 s15, $0x14;
	s22 =	sshll.u32 @!p1 s14, $0xB  }
0x1d: {  	s24 =	sshll.u32 @!p1 s13, $0x4;
	s25 =	simm.s32 @!p1 $0x20;
	s23 =	sadd.s32 @!p1 s21, s22  }
0x1e: {  	s20 =	sshll.u32 @!p1 s20, $0xE;
	s24 =	sand.u32 @!p1 $0x7F0, s24;
	s23 =	sadd.s32 @!p1 s2, s23  }
0x1f: {  	s26 =	simm.s32 @!p1 $0x4000;
	s20 =	sand.u32 @!p1 $0x4000, s20;
	s23 =	sadd.s32 @!p1 s24, s23  }
0x20: {  	[tilespmem:s20], [sflag:$0x1] =	stream.strided.gather @!p1 [hbm4b:s23+s25], $0x1000, s26, s25, $0x38;
	[tilespmem:$0x10100] =	vst v63  }
0x21: {  	s23 =	sadd.s32 @!p1 s21, s8  }
0x22: {  	s23 =	sadd.s32 @!p1 s22, s23  }
0x23: {  	s27 =	sor.u32 @!p1 $0x1000, s20;
	s23 =	sadd.s32 @!p1 s24, s23  }
0x24: {  	[tilespmem:s27], [sflag:$0x1] =	stream.strided.gather @!p1 [hbm4b:s23+s25], $0x1000, s26, s25, $0x38;
	[tilespmem:$0x10100] =	vst v63  }
0x25: {  	s23 =	sadd.s32 @!p1 s21, s9  }
0x26: {  	s21 =	sadd.s32 @!p1 s21, s10;
	s23 =	sadd.s32 @!p1 s22, s23  }
0x27: {  	s27 =	sor.u32 @!p1 $0x2000, s20;
	s21 =	sadd.s32 @!p1 s22, s21;
	s23 =	sadd.s32 @!p1 s24, s23  }
0x28: {  	[tilespmem:s27], [sflag:$0x1] =	stream.strided.gather @!p1 [hbm4b:s23+s25], $0x1000, s26, s25, $0x38;
	[tilespmem:$0x10100] =	vst v63  }
0x29: {  	s31 =	sadd.s32 $0xFFFFFFFF, s16;
	s20 =	sor.u32 @!p1 $0x3000, s20;
	s21 =	sadd.s32 @!p1 s24, s21  }
0x2a: {  	[tilespmem:s20], [sflag:$0x1] =	stream.strided.gather @!p1 [hbm4b:s21+s25], $0x1000, s26, s25, $0x38;
	[tilespmem:$0x10100] =	vst v63  }
0x2b: {  	p1 =	sge.u32 s31, s7  }
.Ltmp2:
0x2c: {  	_ = 	snop;
	(pc) =	sbr.rel @p1 .LBB1_7-.Ltmp2, $1  }
0x2d: {  	_ =	sdelay $0x3  }
0x2e: {  	s20 =	simm.s32 $0x1;
	s22 =	sand.u32 $0x1, s16  }
0x2f: {  	_ =	swait.ge [sflag:s5], $0x4000;
	s20 =	simm.s32 @!p0 $0x0;
	s23 =	smul.u32 $0x10200, s22  }
0x30: {  	[sflag:s5] =	ssyncset.done $0x0;
	s21 =	smul.u32 $0x10200, s20  }
0x31: {  	s20 =	sshll.u32 s20, $0xE;
	[sflag:s5] =	ssyncadd.s32 $0xFFFFC000  }
0x32: {  	s22 =	sor.u32 $0x10, s20;
	s31 =	sshrl.u32 s23, $0x2;
	s21 =	sshrl.u32 s21, $0x2  }
0x33: {  	s23 =	simm.s32 $0x0;
	s20 =	sor.u32 $0x8000, s31;
	s21 =	sor.u32 $0x8000, s21  }
.LBB1_3:
0x34: {  	v1 =	vld [tilespmem:s22+$0x0]  }
0x35: {  	v0 =	vld [tilespmem:s22+$0xFFFFFFF0];
	_ =	sdelay $0x2  }
0x36: {  	s26 =	sadd.s32 $0x0, s21  }
0x37: {  	s24 =	simm.s32 $0x4;
	s25 =	sadd.s32 $0x20, s22;
	[tilespmem:s26+$0x2040 ss:$0x204] =	vst.msk $0xffff, v1  }
.LBB1_4:
0x38: {  	v1 =	vld [tilespmem:s25+$0x0];
	p1 =	sne.s32 s24, $0x1FC;
	[tilespmem:s26+$0x0 ss:$0x204] =	vst.msk $0xffff, v0;
	s26 =	smov.u32 s24;
	s24 =	sadd.s32 $0x4, s24  }
.Ltmp3:
0x39: {  	v0 =	vld [tilespmem:s25+$0xFFFFFFF0];
	(pc) =	sbr.rel @p1 .LBB1_4-.Ltmp3, $4  }
0x3a: {  	_ = 	snop  }
0x3b: {  	s26 =	sshra.s32 s26, $0x2  }
0x3c: {  	s26 =	sadd.s32 s26, s21  }
0x3d: {  	s25 =	sadd.s32 $0x20, s25;
	[tilespmem:s26+$0x2040 ss:$0x204] =	vst.msk $0xffff, v1  }
0x3e: {  	s23 =	sadd.s32 $0x1, s23  }
0x3f: {  	p1 =	sne.s32 s23, $0x4  }
.Ltmp4:
0x40: {  	_ = 	snop;
	(pc) =	sbr.rel @p1 .LBB1_3-.Ltmp4, $2  }
0x41: {  	_ =	sdelay $0x2  }
0x42: {  	[tilespmem:s26+$0x0 ss:$0x204] =	vst.msk $0xffff, v0;
	s21 =	sadd.s32 $0x81, s21;
	s22 =	sadd.s32 $0x1000, s22  }
0x43: {  	s21 =	sshll.u32 s19, $0x9;
	s22 =	sshll.u32 s17, $0x3  }
0x44: {  	s29 =	sshll.u32 s19, $0x7;
	s23 =	sand.u32 $0x78, s17;
	s18 =	sshll.u32 s18, $0xD  }
0x45: {  	s31 =	sand.u32 $0x7, s17;
	s21 =	sand.u32 $0xF000, s21;
	s22 =	sand.u32 $0xFC00, s22  }
0x46: {  	s30 =	sand.u32 $0x200, s29;
	s19 =	sand.u32 $0x180, s29;
	s21 =	sadd.s32 s22, s21  }
.Ltmp5:
0x47: {  	s19 =	sor.u32 s23, s19;
	s21 =	sor.u32 s30, s21;
	(pc) =	sbr.rel .LBB1_7-.Ltmp5, $4  }
0x48: {  	s18 =	sadd.s32 s4, s18;
	s19 =	sshrl.u32 s19, $0x3;
	s21 =	sshrl.u32 s21, $0x3  }
0x49: {  	s17 =	sshll.u32 s31, $0x12;
	s18 =	sadd.s32 s19, s18;
	s21 =	sand.u32 $0x1FC0, s21  }
0x4a: {  	s17 =	sor.u32 $0x80, s17;
	s18 =	sadd.s32 s21, s18  }
0x4b: {  	[hbm4b:s18+s17] =	stream.strided.scatter [tilespmem:s20], [sflag:$0x2], $0x4000, s12, s17, $0x20;
	[tilespmem:$0x10100] =	vst v63  }
.LBB1_8:
0x4c: {  	_ =	sfence.sel $0x180000  }
0x4d: {  	s2 =	simm.s32 $0x1;
	[bflag:$0x0] =	sbarrier.arrive $0xFFFF  }
0x4e: {  	s31 =	simm.s32 $0x2;
	[sflag:s2] =	ssyncpa.u1 $0x1  }
0x4f: {  	[sflag:s31] =	ssyncpa.u1 $0x1  }
0x50: {  	p0 =	sne.s32 s1, $0x0;
	_ =	strace $0x9000004A  }
0x51: {  	s0 =	sadd.s32 @!p0 $0x100000, s0;
	[bflag:$0x2] =	sbarrier.arrive $0xFFFF  }
0x52: {  	[sflag:s0] =	ssyncadd.tile.s32 @!p0 $0x1;
	_ =	shalt  }
.Lfunc_end1:
_tile_overlayer_lowered:
.L_overlay_start_2:
0x53: {  	(tag) =	ssettag $0x2  }
0x54: {  	s0 =	rddreg [dreg:$0x0];
	s2 =	stileid.u32  }
0x55: {  	s1 =	rddreg [dreg:$0x1];
	p0 =	sne.s32 s2, $0x0  }
0x56: {  	s3 =	rddreg [dreg:$0x2];
	[bflag:$0x3] =	sbarrier.arrive $0xFFFF;
	s2 =	simm.s32 @!p0 $0x1C01  }
0x57: {  	[timem:s3], [sflag:s2] =	dma.local @!p0 [hbm:s0], s1  }
0x58: {  	s0 =	simm.s32 @!p0 $0x1  }
0x59: {  	_ =	swait.ge @!p0 [sflag:s0], s1  }
0x5a: {  	s1 =	ssub.s32 @!p0 $0x0, s1;
	[sflag:s0] =	ssyncset.done @!p0 $0x0  }
0x5b: {  	[sflag:s0] =	ssyncadd.s32 @!p0 s1  }
0x5c: {  	[bflag:$0x3] =	sbarrier.arrive $0xFFFF  }
0x5d: {  	_ =	shalt  }

// kernel: sparse-core-data-format-call.cloned.1.call-start
scs
called_computation_lowered:
.L_overlay_start_0:
0x0: {  	s2 =	sld [smem:$0x3FD9]  }
0x1: {  	s3 =	sld [smem:$0x3FFE];
	_ =	sdelay $0x1  }
0x2: {  	s1 =	srdreg.scid  }
0x3: {  	s0 =	sand.u32 $0x1, s1  }
0x4: {  	s18 =	sshll.u32 s0, $0xA;
	s2 =	sadd.s32 s3, s2  }
0x5: {  	s2 =	sadd.s32 s2, s18  }
0x6: {  	[smem:$0x3FA2] =	sst s2  }
0x7: {  	_ = 	snop  }
0x8: {  	(tm) =	ssettm $0x1  }
0x9: {  	s19 =	sld [smem:$0x3FFB];
	_ =	sdelay $0x3  }
0xa: {  	_ =	strace s19  }
0xb: {  	s2 =	sld [smem:$0x3FFC];
	_ =	sdelay $0x3  }
0xc: {  	_ =	strace s2  }
0xd: {  	s2 =	sld [smem:$0x3FFD];
	_ =	sdelay $0x3  }
0xe: {  	_ =	strace s2  }
0xf: {  	_ =	strace $0x8FFFFFFF  }
0x10: {  	s20 =	sld [smem:$0x3FDB];
	_ =	sdelay $0x1  }
0x11: {  	s21 =	simm.s32 $_scs_section_size  }
0x12: {  	s4 =	simm.s32 $_size__tile_overlayer_lowered;
	s5 =	simm.s32 $_tile_overlayer_lowered  }
0x13: {  	s6 =	simm.s32 $0x1BFF;
	s22 =	sshll.u32 s5, $0x1;
	s3 =	sadd.s32 s21, s20  }
0x14: {  	s23 =	simm.s32 $0x0;
	s4 =	sshll.u32 s4, $0x1;
	s5 =	sadd.s32 s22, s3  }
0x15: {  	[timem:s23], [sflag:s6] =	dma.local [hbm:s5], s4  }
0x16: {  	_ =	swait.ge [sflag:s6], s4  }
0x17: {  	s4 =	ssub.s32 $0x0, s4;
	[sflag:s6] =	ssyncset.done $0x0  }
0x18: {  	[sflag:s6] =	ssyncadd.s32 s4;
	_ =	sdelay $0x1  }
0x19: {  	s24 =	simm.s32 $0x1B8B  }
0x1a: {  	_ =	swait.ge [sflag:s24], $0x1  }
0x1b: {  	[sflag:s24] =	ssyncset.done $0x0  }
0x1c: {  	[sflag:s24] =	ssyncadd.s32 $0xFFFFFFFF  }
0x1d: {  	s4 =	sld [smem:$0x0]  }
0x1e: {  	s5 =	sand.u32 $0xFFFFFFFE, s1  }
0x1f: {  	p0 =	sne.s32 s1, s5  }
0x20: {  	s5 =	sshll.u32 @p0 s5, $0xE  }
0x21: {  	s5 =	sadd.s32 @p0 $0x11B8D, s5;
	s6 =	sshll.u32 @p0 s4, $0x11  }
0x22: {  	s5 =	sor.u32 @p0 s6, s5  }
0x23: {  	[sflag:s5] =	ssyncadd.remote.s32 @p0 $0x1;
	_ =	sdelay $0x1  }
0x24: {  	s5 =	simm.s32 @p0 $0x1B8D  }
0x25: {  	_ =	swait.eq @p0 [sflag:s5], $0x1  }
0x26: {  	[sflag:s5] =	ssyncadd.s32 @p0 $0xFFFFFFFF  }
0x27: {  	s6 =	sshll.u32 @!p0 s1, $0xE  }
0x28: {  	s6 =	sor.u32 @!p0 $0x4000, s6;
	s5 =	simm.s32 @!p0 $0x1B8D  }
0x29: {  	s4 =	sshll.u32 @!p0 s4, $0x11;
	s6 =	sadd.s32 @!p0 $0x11B8D, s6;
	_ =	swait.eq @!p0 [sflag:s5], $0x1  }
0x2a: {  	s4 =	sor.u32 @!p0 s4, s6;
	[sflag:s5] =	ssyncadd.s32 @!p0 $0xFFFFFFFF  }
0x2b: {  	s26 =	simm.s32 $0x1B8E;
	s25 =	sld [smem:$0x3FFE];
	[sflag:s4] =	ssyncadd.remote.s32 @!p0 $0x1  }
0x2c: {  	s27 =	simm.s32 $execute0_lowered;
	[smem:$0x3FD2] =	sst s26  }
0x2d: {  	s5 =	sshll.u32 s27, $0x1;
	_ =	strace $0x80000052;
	[dreg:$0x1] =	wrdreg $0xFFFFFFFF  }
0x2e: {  	s28 =	simm.s32 $_size_execute0_lowered;
	s3 =	sadd.s32 s3, s5;
	[dreg:$0x0] =	wrdreg $0x0  }
0x2f: {  	s5 =	sshll.u32 s28, $0x1;
	[dreg:$0x2] =	wrdreg s3  }
0x30: {  	[dreg:$0x3] =	wrdreg s5  }
0x31: {  	[dreg:$0x4] =	wrdreg $0xC0  }
0x32: {  	_ =	task [dreg:s23], $0x5FFFF  }
0x33: {  	[dreg:$0x1] =	wrdreg $0xFFFFFFFF  }
0x34: {  	[dreg:$0x0] =	wrdreg $0x60  }
0x35: {  	[dreg:$0x2] =	wrdreg s25  }
0x36: {  	[dreg:$0x3] =	wrdreg $0xB  }
0x37: {  	_ =	task.clear_ibuf [dreg:s23], $0x4FFFF;
	_ =	strace $0x90000052  }
0x38: {  	s29 =	simm.s32 $0xB;
	_ =	strace $0x80000054  }
0x39: {  	_ =	swait.ge [sflag:s29], $0x1  }
0x3a: {  	[sflag:s29] =	ssyncadd.s32 $0xFFFFFFFF  }
0x3b: {  	_ =	strace $0x90000054  }
0x3c: {  	_ =	sfence  }
0x3d: {  	s30 =	sld [smem:$0x0];
	_ =	sdelay $0x2  }
0x3e: {  	s31 =	sshll.u32 s1, $0xD;
	s1 =	sshrl.u32 s1, $0x2  }
0x3f: {  	s4 =	sand.u32 $0x4000, s31;
	s1 =	sadd.s32 s1, s30  }
0x40: {  	s0 =	sor.u32 s4, s0;
	s1 =	sshll.u32 s1, $0x11  }
0x41: {  	s0 =	sor.u32 s1, s0  }
0x42: {  	s0 =	sadd.s32 $0x8F2B, s0  }
0x43: {  	[sflag:s0] =	ssyncadd.remote.s32 $0x1  }
0x44: {  	_ =	sfence.sel $0xFFFF  }
0x45: {  	[dreg:$0x0] =	wrdreg $0xFFFFFFFF;
	(pc) =	sbr.abs _section_cstart, $3  }
0x46: {  	[dreg:$0x1] =	wrdreg $0xFFFFFFFF  }
0x47: {  	_ =	task.clear_ibuf [dreg:s23], $0x2FFFF;
	_ =	strace $0x9FFFFFFF  }
0x48: {  	(tm) =	ssettm $0x7FFFFFFF  }
0x49: {  	_ =	shalt  }
tec
execute0_lowered:
.L_overlay_start_1:
0x0: {  	(tag) =	ssettag $0x1  }
0x1: {  	s0 =	stileid.u32  }
0x2: {  	s1 =	srdreg.scid;
	s6 =	rddreg [dreg:$0x0];
	s4 =	simm.s32 $0x1  }
0x3: {  	s8 =	simm.s32 $0x2;
	s2 =	sshll.u32 s0, $0x4;
	s1 =	sshll.u32 s1, $0x8  }
0x4: {  	s16 =	simm.s32 $0x0;
	s9 =	simm.s32 $0x1000;
	s1 =	sor.u32 s2, s1  }
0x5: {  	s10 =	simm.s32 $0x0;
	s17 =	simm.s32 $0x0;
	s2 =	sand.u32 $0x180, s1  }
0x6: {  	s19 =	simm.s32 $0x0;
	s18 =	simm.s32 $0x0;
	s3 =	ssub.s32 $0x200, s2  }
0x7: {  	s11 =	simm.s32 $0x0;
	s14 =	simm.s32 $0x0;
	s31 =	sand.u32 $0x180, s3  }
0x8: {  	s15 =	simm.s32 $0x0;
	s7 =	sand.u32 $0x7, s0;
	p0 =	sne.s32 s31, $0x0  }
.Ltmp0:
0x9: {  	s3 =	sshrl.u32 s3, $0x9;
	s4 =	simm.s32 @!p0 $0x0;
	(pc) =	sbr.rel .LBB1_1-.Ltmp0, $4  }
0xa: {  	s13 =	smov.u32 s7;
	s1 =	rddreg [dreg:$0x1];
	s5 =	sadd.s32 s4, s3  }
0xb: {  	_ =	strace $0x80000053;
	s4 =	simm.s32 $0x1;
	s5 =	smul.u32 $0x14, s5  }
0xc: {  	s12 =	smov.u32 s2;
	s3 =	sadd.s32 $0x2EA200, s6;
	[sflag:s4] =	ssyncpa.u1 $0x0  }
0xd: {  	s6 =	sadd.s32 $0x42A200, s6;
	[sflag:s8] =	ssyncpa.u1 $0x0;
	s8 =	sor.u32 $0x1, s5  }
.LBB1_4:
0xe: {  	_ =	sdelay $0x3  }
0xf: {  	[tilespmem:v0+s22+$0xFFFFFFA0 ss:$0x1] =	vst.idx.msk $0xffff, v6  }
0x10: {  	v56 =	vld.idx.msk [tilespmem:v1+s21+$0x30 ss:$0x1], $0xffff;
	[tilespmem:v0+s22+$0xFFFFFFB0 ss:$0x1] =	vst.idx.msk $0xffff, v4  }
0x11: {  	v57 =	vld.idx.msk [tilespmem:v1+s21+$0xFFFFFFC0 ss:$0x1], $0xffff;
	[tilespmem:v0+s22+$0xFFFFFFC0 ss:$0x1] =	vst.idx.msk $0xffff, v2  }
0x12: {  	v58 =	vld.idx.msk [tilespmem:v1+s21+$0xFFFFFFD0 ss:$0x1], $0xffff;
	[tilespmem:v0+s22+$0xFFFFFFD0 ss:$0x1] =	vst.idx.msk $0xffff, v3  }
0x13: {  	v59 =	vld.idx.msk [tilespmem:v1+s21+$0xFFFFFFE0 ss:$0x1], $0xffff;
	[tilespmem:v0+s22+$0xFFFFFFE0 ss:$0x1] =	vst.idx.msk $0xffff, v5  }
0x14: {  	v60 =	vld.idx.msk [tilespmem:v1+s21+$0xFFFFFFF0 ss:$0x1], $0xffff;
	[tilespmem:v0+s22+$0xFFFFFFF0 ss:$0x1] =	vst.idx.msk $0xffff, v7  }
0x15: {  	v61 =	vld.idx.msk [tilespmem:v1+s21+$0x0 ss:$0x1], $0xffff;
	[tilespmem:v0+s21+$0x0 ss:$0x1] =	vst.idx.msk $0xffff, v56  }
0x16: {  	v62 =	vld.idx.msk [tilespmem:v1+s21+$0x10 ss:$0x1], $0xffff;
	[tilespmem:v0+s21+$0xFFFFFF90 ss:$0x1] =	vst.idx.msk $0xffff, v57  }
0x17: {  	s19 =	sshll.u32 s19, $0x7;
	v63 =	vld.idx.msk [tilespmem:v1+s21+$0x20 ss:$0x1], $0xffff;
	s29 =	sand.u32 $0x78, s16;
	[tilespmem:v0+s21+$0xFFFFFFA0 ss:$0x1] =	vst.idx.msk $0xffff, v58  }
0x18: {  	s30 =	sshll.u32 s16, $0x3;
	s18 =	sshll.u32 s18, $0x12;
	s19 =	sand.u32 $0x380, s19;
	[tilespmem:v0+s21+$0xFFFFFFB0 ss:$0x1] =	vst.idx.msk $0xffff, v59  }
0x19: {  	s17 =	sshll.u32 s17, $0x9;
	s22 =	sand.u32 $0xC00, s30;
	s19 =	sor.u32 s29, s19;
	[tilespmem:v0+s21+$0xFFFFFFC0 ss:$0x1] =	vst.idx.msk $0xffff, v60  }
0x1a: {  	s31 =	sand.u32 $0x7, s16;
	s18 =	sadd.s32 s6, s18;
	s19 =	sor.u32 s22, s19;
	[tilespmem:v0+s21+$0xFFFFFFD0 ss:$0x1] =	vst.idx.msk $0xffff, v61  }
0x1b: {  	s16 =	sshll.u32 s31, $0x12;
	s17 =	sadd.s32 s17, s18;
	s19 =	sshrl.u32 s19, $0x3;
	[tilespmem:v0+s21+$0xFFFFFFE0 ss:$0x1] =	vst.idx.msk $0xffff, v62  }
0x1c: {  	s16 =	sor.u32 $0x80, s16;
	[tilespmem:v0+s21+$0xFFFFFFF0 ss:$0x1] =	vst.idx.msk $0xffff, v63;
	s17 =	sadd.s32 s19, s17  }
0x1d: {  	[hbm4b:s17+s16] =	stream.strided.scatter [tilespmem:s20], [sflag:$0x2], $0x4000, s9, s16, $0x38;
	[tilespmem:$0x10000] =	vst v63  }
.LBB1_5:
0x1e: {  	s20 =	sadd.s32 $0x80, s11  }
0x1f: {  	s16 =	sadd.s32 $0x200, s12;
	s21 =	smov.u32 s12;
	p1 =	sgt.s32 s20, $0x1FF  }
0x20: {  	s21 =	smov.u32 @p1 s16  }
0x21: {  	s22 =	smov.u32 s13;
	s16 =	sadd.s32 $0x8, s13;
	p2 =	sgt.s32 s21, $0x1FF  }
0x22: {  	s22 =	smov.u32 @p2 s16  }
0x23: {  	s16 =	simm.s32 $0x1;
	p3 =	sgt.s32 s22, $0x7  }
0x24: {  	s16 =	simm.s32 @!p3 $0x0  }
0x25: {  	p0 =	slt.u32 s15, $0x2;
	s24 =	sadd.s32 s16, s14  }
0x26: {  	s17 =	smov.u32 s12;
	s20 =	simm.s32 @p1 $0x0;
	p1 =	sgt.s32 s24, $0x4  }
0x27: {  	s23 =	simm.s32 @!p0 $0x2;
	s24 =	simm.s32 @p1 $0x0;
	p1 =	sne.s32 s15, s8  }
.Ltmp1:
0x28: {  	s19 =	smov.u32 s13;
	_ =	swait.ge @!p0 [sflag:s23], $0x4000;
	(pc) =	sbr.rel @!p1 .LBB1_6-.Ltmp1, $4  }
0x29: {  	s18 =	smov.u32 s14;
	[sflag:s23] =	ssyncset.done @!p0 $0x0;
	s21 =	smov.u32 @p2 s2  }
0x2a: {  	s10 =	sadd.s32 $0x4000, s10;
	[sflag:s23] =	ssyncadd.s32 @!p0 $0xFFFFC000;
	s12 =	smov.u32 s21  }
0x2b: {  	s22 =	smov.u32 @p3 s7;
	s16 =	smov.u32 s11;
	s11 =	smov.u32 s20  }
0x2c: {  	s13 =	smov.u32 s22;
	s15 =	sadd.s32 $0x1, s15;
	s14 =	smov.u32 s24  }
.LBB1_1:
0x2d: {  	p0 =	sge.u32 s15, s5;
	s31 =	sadd.s32 $0xFFFFFFFF, s15  }
0x2e: {  	s20 =	sxor.u32 @!p0 $0xFFFFFFFF, s15;
	s21 =	sand.u32 @!p0 $0x78, s11;
	s22 =	sshll.u32 @!p0 s12, $0x9  }
0x2f: {  	s23 =	sshll.u32 @!p0 s11, $0x3;
	s24 =	sshll.u32 @!p0 s12, $0x7;
	s20 =	sshll.u32 @!p0 s20, $0xE  }
0x30: {  	s22 =	sand.u32 @!p0 $0x3F000, s22;
	s23 =	sand.u32 @!p0 $0x3FC00, s23;
	s20 =	sand.u32 @!p0 $0x4000, s20  }
0x31: {  	s22 =	sadd.s32 @!p0 s22, s23;
	s23 =	sand.u32 @!p0 $0x200, s24;
	s24 =	sand.u32 @!p0 $0x180, s24  }
0x32: {  	s22 =	sor.u32 @!p0 s23, s22;
	s21 =	sor.u32 @!p0 s21, s24;
	s23 =	sshll.u32 @!p0 s14, $0x12  }
0x33: {  	s24 =	sshll.u32 @!p0 s13, $0xF;
	s22 =	sshrl.u32 @!p0 s22, $0x3;
	s23 =	sadd.s32 @!p0 s3, s23  }
0x34: {  	s21 =	sshrl.u32 @!p0 s21, $0x3;
	s23 =	sadd.s32 @!p0 s24, s23;
	s24 =	sand.u32 @!p0 $0x7, s11  }
0x35: {  	s22 =	sand.u32 @!p0 $0x7FC0, s22;
	s21 =	sadd.s32 @!p0 s21, s23;
	s23 =	sshll.u32 @!p0 s24, $0x12  }
0x36: {  	s21 =	sadd.s32 @!p0 s22, s21;
	s22 =	sor.u32 @!p0 $0x400, s23;
	s23 =	simm.s32 @!p0 $0x1000  }
0x37: {  	[tilespmem:s20], [sflag:$0x1] =	stream.strided.gather @!p0 [hbm4b:s21+s22], $0x4000, s23, s22, $0x38;
	[tilespmem:$0x10000] =	vst v63  }
0x38: {  	p0 =	sge.u32 s31, s5  }
.Ltmp2:
0x39: {  	_ = 	snop;
	(pc) =	sbr.rel @p0 .LBB1_5-.Ltmp2, $1  }
0x3a: {  	_ =	sdelay $0x3  }
0x3b: {  	s20 =	sand.u32 $0x4000, s10  }
0x3c: {  	s21 =	sor.u32 $0x40, s20  }
0x3d: {  	v1 =	vmov s21;
	_ =	sdelay $0x1  }
0x3e: {  	_ =	swait.ge [sflag:s4], $0x4000  }
0x3f: {  	[sflag:s4] =	ssyncset.done $0x0  }
0x40: {  	s22 =	simm.s32 $0x0;
	[sflag:s4] =	ssyncadd.s32 $0xFFFFC000  }
0x41: {  	s20 =	sor.u32 $0x8070, s20;
	v7 =	vld.idx.msk [tilespmem:v1+s22+$0x30 ss:$0x1], $0xffff  }
0x42: {  	v0 =	vmov s20;
	v8 =	vld.idx.msk [tilespmem:v1+s22+$0xFFFFFFC0 ss:$0x1], $0xffff  }
0x43: {  	v6 =	vld.idx.msk [tilespmem:v1+s22+$0xFFFFFFD0 ss:$0x1], $0xffff  }
0x44: {  	v4 =	vld.idx.msk [tilespmem:v1+s22+$0xFFFFFFE0 ss:$0x1], $0xffff  }
0x45: {  	v2 =	vld.idx.msk [tilespmem:v1+s22+$0xFFFFFFF0 ss:$0x1], $0xffff  }
0x46: {  	s31 =	sshll.u32 s15, $0xE;
	v3 =	vld.idx.msk [tilespmem:v1+s22+$0x0 ss:$0x1], $0xffff  }
0x47: {  	s20 =	sand.u32 $0x4000, s31;
	v5 =	vld.idx.msk [tilespmem:v1+s22+$0x10 ss:$0x1], $0xffff;
	[tilespmem:v0+s22+$0x0 ss:$0x1] =	vst.idx.msk $0xffff, v7  }
0x48: {  	s23 =	simm.s32 $0x400;
	s21 =	simm.s32 $0x80;
	s20 =	sor.u32 $0x8000, s20;
	[tilespmem:v0+s22+$0xFFFFFF90 ss:$0x1] =	vst.idx.msk $0xffff, v8;
	v7 =	vld.idx.msk [tilespmem:v1+s22+$0x20 ss:$0x1], $0xffff  }
.LBB1_3:
0x49: {  	p0 =	sne.s32 s23, $0xFE00;
	v8 =	vld.idx.msk [tilespmem:v1+s21+$0x30 ss:$0x1], $0xffff;
	[tilespmem:v0+s22+$0xFFFFFFA0 ss:$0x1] =	vst.idx.msk $0xffff, v6  }
0x4a: {  	v9 =	vld.idx.msk [tilespmem:v1+s21+$0xFFFFFFC0 ss:$0x1], $0xffff;
	[tilespmem:v0+s22+$0xFFFFFFB0 ss:$0x1] =	vst.idx.msk $0xffff, v4  }
0x4b: {  	v6 =	vld.idx.msk [tilespmem:v1+s21+$0xFFFFFFD0 ss:$0x1], $0xffff;
	[tilespmem:v0+s22+$0xFFFFFFC0 ss:$0x1] =	vst.idx.msk $0xffff, v2  }
.Ltmp3:
0x4c: {  	v4 =	vld.idx.msk [tilespmem:v1+s21+$0xFFFFFFE0 ss:$0x1], $0xffff;
	[tilespmem:v0+s22+$0xFFFFFFD0 ss:$0x1] =	vst.idx.msk $0xffff, v3;
	(pc) =	sbr.rel @p0 .LBB1_3-.Ltmp3, $4  }
0x4d: {  	v2 =	vld.idx.msk [tilespmem:v1+s21+$0xFFFFFFF0 ss:$0x1], $0xffff;
	[tilespmem:v0+s22+$0xFFFFFFE0 ss:$0x1] =	vst.idx.msk $0xffff, v5  }
0x4e: {  	v3 =	vld.idx.msk [tilespmem:v1+s21+$0x0 ss:$0x1], $0xffff;
	[tilespmem:v0+s22+$0xFFFFFFF0 ss:$0x1] =	vst.idx.msk $0xffff, v7;
	s22 =	smov.u32 s21  }
0x4f: {  	v5 =	vld.idx.msk [tilespmem:v1+s22+$0x10 ss:$0x1], $0xffff;
	[tilespmem:v0+s22+$0x0 ss:$0x1] =	vst.idx.msk $0xffff, v8  }
0x50: {  	s21 =	sshra.s32 s23, $0x2;
	s23 =	sadd.s32 $0x200, s23;
	[tilespmem:v0+s22+$0xFFFFFF90 ss:$0x1] =	vst.idx.msk $0xffff, v9;
	v7 =	vld.idx.msk [tilespmem:v1+s22+$0x20 ss:$0x1], $0xffff  }
.Ltmp4:
0x51: {  	_ = 	snop;
	(pc) =	sbr.rel .LBB1_4-.Ltmp4, $1  }
0x52: {  	_ =	sdelay $0x3  }
.LBB1_6:
0x53: {  	_ =	sfence.sel $0x180000  }
0x54: {  	s2 =	simm.s32 $0x1;
	[bflag:$0x0] =	sbarrier.arrive $0xFFFF  }
0x55: {  	s31 =	simm.s32 $0x2;
	[sflag:s2] =	ssyncpa.u1 $0x1  }
0x56: {  	[sflag:s31] =	ssyncpa.u1 $0x1  }
0x57: {  	p0 =	sne.s32 s0, $0x0;
	_ =	strace $0x90000053  }
0x58: {  	s0 =	sadd.s32 @!p0 $0x100000, s1;
	[bflag:$0x2] =	sbarrier.arrive $0xFFFF  }
0x59: {  	[sflag:s0] =	ssyncadd.tile.s32 @!p0 $0x1;
	_ =	shalt  }
.Lfunc_end1:
_tile_overlayer_lowered:
.L_overlay_start_2:
0x5a: {  	(tag) =	ssettag $0x2  }
0x5b: {  	s0 =	rddreg [dreg:$0x0];
	s2 =	stileid.u32  }
0x5c: {  	s1 =	rddreg [dreg:$0x1];
	p0 =	sne.s32 s2, $0x0  }
0x5d: {  	s3 =	rddreg [dreg:$0x2];
	[bflag:$0x3] =	sbarrier.arrive $0xFFFF;
	s2 =	simm.s32 @!p0 $0x1C01  }
0x5e: {  	[timem:s3], [sflag:s2] =	dma.local @!p0 [hbm:s0], s1  }
0x5f: {  	s0 =	simm.s32 @!p0 $0x1  }
0x60: {  	_ =	swait.ge @!p0 [sflag:s0], s1  }
0x61: {  	s1 =	ssub.s32 @!p0 $0x0, s1;
	[sflag:s0] =	ssyncset.done @!p0 $0x0  }
0x62: {  	[sflag:s0] =	ssyncadd.s32 @!p0 s1  }
0x63: {  	[bflag:$0x3] =	sbarrier.arrive $0xFFFF  }
0x64: {  	_ =	shalt  }

</sc_bundles>
